<compile_context>
chip_gen: v7x
topology: tpu7x:2x2x1
jax: 0.10.2.dev20260603
libtpu: 0.0.44.dev20260713+nightly
codegen_flags: <defaults>
</compile_context>

<pallas_src>
import functools

import jax
import jax.numpy as jnp
from jax import lax
from jax.experimental import pallas as pl
from jax.experimental.pallas import tpu as pltpu
from jax.experimental.pallas import tpu_sc as plsc

NC = 2
NS = 16
NW = NC * NS
LANE = 128
C_R = 16
C = C_R * LANE
U = 8


def _sc_body(nchunks, m_pad, ft, xt, ind3, vals, tsrc2, tdst2, tvals,
             zeros8, out0, out1,
             src_v0, src_v1, dst_v0, dst_v1, val_v0, val_v1,
             rows_v0, rows_v1, msg_v0, msg_v1, acc,
             gsem0, gsem1, ssem0, ssem1, lsem0, lsem1, dsem0, dsem1):
    cid = lax.axis_index("c")
    sid = lax.axis_index("s")
    wid = cid * NS + sid

    SRC = [src_v0, src_v1]
    DSTV = [dst_v0, dst_v1]
    VAL = [val_v0, val_v1]
    ROWS = [rows_v0, rows_v1]
    MSG = [msg_v0, msg_v1]
    GSEM = [gsem0, gsem1]
    SSEM = [ssem0, ssem1]
    LSEM = [lsem0, lsem1]
    DSEM = [dsem0, dsem1]

    rows_per_tile = m_pad // NS
    r0 = sid * rows_per_tile
    pltpu.sync_copy(zeros8.at[pl.ds(r0, rows_per_tile)],
                    acc.at[pl.ds(r0, rows_per_tile)])
    plsc.subcore_barrier()

    iota = lax.iota(jnp.int32, 16)
    row16 = lax.shift_right_logical(iota, 3)
    col16 = jnp.bitwise_and(iota, 7)

    def fire_srcval(h, p):
        rb = (wid * nchunks + h) * C_R
        rbt = ((wid - ft) * nchunks + h) * C_R

        @pl.when(wid < ft)
        def _():
            pltpu.async_copy(ind3.at[0, pl.ds(rb, C_R)], SRC[p], LSEM[p])
            pltpu.async_copy(vals.at[pl.ds(rb * LANE, C)], VAL[p], LSEM[p])

        @pl.when(wid >= ft)
        def _():
            pltpu.async_copy(tsrc2.at[pl.ds(rbt, C_R)], SRC[p], LSEM[p])
            pltpu.async_copy(tvals.at[pl.ds(rbt * LANE, C)], VAL[p], LSEM[p])

    def fire_dst(h, p):
        rb = (wid * nchunks + h) * C_R
        rbt = ((wid - ft) * nchunks + h) * C_R

        @pl.when(wid < ft)
        def _():
            pltpu.async_copy(ind3.at[1, pl.ds(rb, C_R)], DSTV[p], DSEM[p])

        @pl.when(wid >= ft)
        def _():
            pltpu.async_copy(tdst2.at[pl.ds(rbt, C_R)], DSTV[p], DSEM[p])

    def drain_lsem(p):
        pltpu.make_async_copy(tsrc2.at[pl.ds(0, C_R)], SRC[p], LSEM[p]).wait()
        pltpu.make_async_copy(tvals.at[pl.ds(0, C)], VAL[p], LSEM[p]).wait()

    def drain_dsem(p):
        pltpu.make_async_copy(tdst2.at[pl.ds(0, C_R)], DSTV[p], DSEM[p]).wait()

    def drain_gsem(p):
        pltpu.make_async_copy(zeros8.at[pl.ds(0, C)], ROWS[p], GSEM[p]).wait()

    def drain_ssem(p):
        pltpu.make_async_copy(zeros8.at[pl.ds(0, C)], MSG[p], SSEM[p]).wait()

    def fire_gathers(p):
        def fj(j, c):
            pltpu.async_copy(xt.at[SRC[p].at[j]],
                             ROWS[p].at[pl.ds(j * LANE, LANE)], GSEM[p])
            return c
        lax.fori_loop(0, C_R, fj, 0)

    def fire_scatters(p):
        def fj(j, c):
            pltpu.async_copy(MSG[p].at[pl.ds(j * LANE, LANE)],
                             acc.at[DSTV[p].at[j]], SSEM[p], add=True)
            return c
        lax.fori_loop(0, C_R, fj, 0)

    def compute(p):
        rows_v, val_v, msg_v = ROWS[p], VAL[p], MSG[p]

        def inner(i, c2):
            base = i * (2 * U)
            for u in range(U):
                r = row16 + (base + 2 * u)
                xv = plsc.load_gather(rows_v, [r, col16])
                ev = plsc.load_gather(val_v, [r])
                plsc.store_scatter(msg_v, [r, col16], xv * ev)
            return c2
        lax.fori_loop(0, C // (2 * U), inner, 0)

    fire_srcval(0, 0)
    fire_dst(0, 0)
    fire_srcval(1, 1)
    fire_dst(1, 1)
    drain_lsem(0)
    fire_gathers(0)
    pltpu.async_copy(zeros8.at[pl.ds(0, C)], MSG[1], SSEM[1])

    def chunk_step(h, A):
        B = 1 - A
        hp1 = jnp.minimum(h + 1, nchunks - 1)
        hp2 = jnp.minimum(h + 2, nchunks - 1)
        drain_lsem(B)
        fire_gathers(B)
        drain_gsem(A)
        compute(A)
        drain_ssem(B)
        drain_dsem(A)
        fire_scatters(A)
        fire_dst(hp1, B)
        fire_srcval(hp2, A)

    def pair_body(g2, carry):
        chunk_step(g2 * 2, 0)
        chunk_step(g2 * 2 + 1, 1)
        return carry

    lax.fori_loop(0, nchunks // 2, pair_body, 0)

    drain_gsem(0)
    drain_ssem(1)
    drain_lsem(1)
    drain_dsem(0)
    drain_dsem(1)

    plsc.subcore_barrier()

    @pl.when(cid == 0)
    def _():
        pltpu.sync_copy(acc.at[pl.ds(r0, rows_per_tile)],
                        out0.at[pl.ds(r0, rows_per_tile)])

    @pl.when(cid == 1)
    def _():
        pltpu.sync_copy(acc.at[pl.ds(r0, rows_per_tile)],
                        out1.at[pl.ds(r0, rows_per_tile)])


def _combine_body(p0_ref, p1_ref, b_ref, o_ref):
    o_ref[...] = p0_ref[...] + p1_ref[...] + b_ref[...]


def kernel(x, values, bias, indices):
    B, N, _ = x.shape
    M = bias.shape[0]
    E = values.shape[0]
    assert B == 8

    xt = x.reshape(B, N).T
    assert E % LANE == 0
    ind3 = indices.reshape(2, E // LANE, LANE)

    m_pad = -(-M // 1024) * 1024

    e_tile = -(-E // (NW * 2 * C)) * (2 * C)
    nchunks = e_tile // C
    e_pad = e_tile * NW
    ft = E // e_tile
    tail_len = e_pad - ft * e_tile
    pad = tail_len - (E - ft * e_tile)
    pad_idx = jnp.arange(pad, dtype=jnp.int32)
    tsrc = jnp.concatenate([indices[0, ft * e_tile:], pad_idx % N])
    tdst = jnp.concatenate([indices[1, ft * e_tile:], pad_idx % M])
    tval = jnp.concatenate([values[ft * e_tile:],
                            jnp.zeros((pad,), jnp.float32)])
    tsrc2 = tsrc.reshape(-1, LANE)
    tdst2 = tdst.reshape(-1, LANE)
    zeros8 = jnp.zeros((m_pad, B), jnp.float32)

    mesh = plsc.VectorSubcoreMesh(core_axis_name="c", subcore_axis_name="s")
    part0, part1 = pl.kernel(
        functools.partial(_sc_body, nchunks, m_pad, ft),
        out_type=[jax.ShapeDtypeStruct((m_pad, B), jnp.float32),
                  jax.ShapeDtypeStruct((m_pad, B), jnp.float32)],
        mesh=mesh,
        compiler_params=pltpu.CompilerParams(
            needs_layout_passes=False, use_tc_tiling_on_sc=False),
        scratch_types=[
            pltpu.VMEM((C_R, LANE), jnp.int32),
            pltpu.VMEM((C_R, LANE), jnp.int32),
            pltpu.VMEM((C_R, LANE), jnp.int32),
            pltpu.VMEM((C_R, LANE), jnp.int32),
            pltpu.VMEM((C,), jnp.float32),
            pltpu.VMEM((C,), jnp.float32),
            pltpu.VMEM((C, B), jnp.float32),
            pltpu.VMEM((C, B), jnp.float32),
            pltpu.VMEM((C, B), jnp.float32),
            pltpu.VMEM((C, B), jnp.float32),
            pltpu.VMEM_SHARED((m_pad, B), jnp.float32),
            pltpu.SemaphoreType.DMA,
            pltpu.SemaphoreType.DMA,
            pltpu.SemaphoreType.DMA,
            pltpu.SemaphoreType.DMA,
            pltpu.SemaphoreType.DMA,
            pltpu.SemaphoreType.DMA,
            pltpu.SemaphoreType.DMA,
            pltpu.SemaphoreType.DMA,
        ],
    )(xt, ind3, values, tsrc2, tdst2, tval, zeros8)

    nrow = m_pad * 8 // 128
    p0f = part0.reshape(nrow, 128)
    p1f = part1.reshape(nrow, 128)
    bias_p = jnp.concatenate([bias, jnp.zeros((m_pad - M, 1), jnp.float32)])
    bias_f = jnp.broadcast_to(bias_p, (m_pad, B)).reshape(nrow, 128)
    BM = nrow // 8
    out_f = pl.pallas_call(
        _combine_body,
        grid=(nrow // BM,),
        in_specs=[
            pl.BlockSpec((BM, 128), lambda i: (i, 0)),
            pl.BlockSpec((BM, 128), lambda i: (i, 0)),
            pl.BlockSpec((BM, 128), lambda i: (i, 0)),
        ],
        out_specs=pl.BlockSpec((BM, 128), lambda i: (i, 0)),
        out_shape=jax.ShapeDtypeStruct((nrow, 128), jnp.float32),
    )(p0f, p1f, bias_f)

    out8 = out_f.reshape(m_pad, B)
    return out8[:M].T.reshape(B, M, 1)

# --- scband reference (transcript-rebuilt; emitter-appended) ---
"""Pipeline reference for scband-sparse-linear-48155173323398 (READ-ONLY COPY).

The authoritative reference and input builder live on the scoring server;
editing this copy changes nothing except your own understanding.
"""

import jax, jax.numpy as jnp
import numpy as np

N = 100000
M = 100000
E = 1600000
B = 8


def setup_inputs(seed: int = 0) -> dict:
    key = jax.random.key(seed)
    k1, k2, k3, k4 = jax.random.split(key, 4)
    x = jax.random.normal(k1, (B, N, 1), dtype=jnp.float32)
    src = jax.random.randint(k2, (E,), 0, N, dtype=jnp.int32)
    dst = jax.random.randint(k3, (E,), 0, M, dtype=jnp.int32)
    indices = jnp.stack([src, dst], axis=0)
    # init='uniform', init_gain=1.0 -> U(-1, 1) * gain
    values = jax.random.uniform(k4, (E,), minval=-1.0, maxval=1.0, dtype=jnp.float32) * 1.0
    bias = jnp.zeros((M, 1), dtype=jnp.float32)
    return {"x": x, "values": values, "bias": bias, "indices": indices}


def reference(x, values, bias, indices):
    Bb = x.shape[0]
    Nn = x.shape[1]
    Mm = bias.shape[0]
    src = indices[0]
    dst = indices[1]
    # batch_graphs: repeat edge_index B times with per-batch node-id offsets
    off = jnp.arange(Bb, dtype=src.dtype)
    bsrc = (src[None, :] + off[:, None] * Nn).reshape(-1)
    bdst = (dst[None, :] + off[:, None] * Mm).reshape(-1)
    # edge_weight = values expanded over batch
    ew = jnp.tile(values, Bb)
    xf = x.reshape(-1)
    # message: edge_weight * x_j ; aggregate: scatter-add at dst
    msg = ew * xf[bsrc]
    out = jax.ops.segment_sum(msg, bdst, num_segments=Bb * Mm)
    # bias gathered per batched dst node: bias[arange(M).repeat(B)]
    bias_flat = jnp.tile(bias.reshape(-1), Bb)
    out = out + bias_flat
    return out.reshape(Bb, Mm, 1)

if __name__ == "__main__":
    import jax
    _d = setup_inputs()
    print(jax.jit(kernel)(*tuple(_d.values())))

</pallas_src>

<mosaic_0001>
#map = affine_map<(d0, d1) -> (0, 0)>
#map1 = affine_map<(d0, d1) -> (0, 0, 0)>
#map2 = affine_map<(d0, d1) -> (0)>
module attributes {stable_mosaic.version = 14 : i64} {
  func.func @_sc_body(%arg0: i32, %arg1: i32, %arg2: memref<100000x8xf32, #tpu.memory_space<hbm>>, %arg3: memref<2x12500x128xi32, #tpu.memory_space<hbm>>, %arg4: memref<1600000xf32, #tpu.memory_space<hbm>>, %arg5: memref<832x128xi32, #tpu.memory_space<hbm>>, %arg6: memref<832x128xi32, #tpu.memory_space<hbm>>, %arg7: memref<106496xf32, #tpu.memory_space<hbm>>, %arg8: memref<100352x8xf32, #tpu.memory_space<hbm>>, %arg9: memref<100352x8xf32, #tpu.memory_space<hbm>>, %arg10: memref<100352x8xf32, #tpu.memory_space<hbm>>, %arg11: memref<16x128xi32, #tpu.memory_space<vmem>>, %arg12: memref<16x128xi32, #tpu.memory_space<vmem>>, %arg13: memref<16x128xi32, #tpu.memory_space<vmem>>, %arg14: memref<16x128xi32, #tpu.memory_space<vmem>>, %arg15: memref<2048xf32, #tpu.memory_space<vmem>>, %arg16: memref<2048xf32, #tpu.memory_space<vmem>>, %arg17: memref<2048x8xf32, #tpu.memory_space<vmem>>, %arg18: memref<2048x8xf32, #tpu.memory_space<vmem>>, %arg19: memref<2048x8xf32, #tpu.memory_space<vmem>>, %arg20: memref<2048x8xf32, #tpu.memory_space<vmem>>, %arg21: memref<100352x8xf32, #tpu.memory_space<vmem_shared>>, %arg22: memref<!tpu.dma_semaphore, #tpu.memory_space<semaphore_mem>>, %arg23: memref<!tpu.dma_semaphore, #tpu.memory_space<semaphore_mem>>, %arg24: memref<!tpu.dma_semaphore, #tpu.memory_space<semaphore_mem>>, %arg25: memref<!tpu.dma_semaphore, #tpu.memory_space<semaphore_mem>>, %arg26: memref<!tpu.dma_semaphore, #tpu.memory_space<semaphore_mem>>, %arg27: memref<!tpu.dma_semaphore, #tpu.memory_space<semaphore_mem>>, %arg28: memref<!tpu.dma_semaphore, #tpu.memory_space<semaphore_mem>>, %arg29: memref<!tpu.dma_semaphore, #tpu.memory_space<semaphore_mem>>) attributes {dimension_semantics = [#tpu.dimension_semantics<core_parallel>, #tpu.dimension_semantics<subcore_parallel>], iteration_bounds = array<i64: 2, 16>, scalar_prefetch = 0 : i64, scratch_operands = 19 : i64, tpu.core_type = #tpu.core_type<sc_vector_subcore>, window_params = [{transform_indices = #map}, {transform_indices = #map1}, {transform_indices = #map2}, {transform_indices = #map}, {transform_indices = #map}, {transform_indices = #map2}, {transform_indices = #map}, {transform_indices = #map}, {transform_indices = #map}]} {
    %mul3A = arith.constant 16 : i32
    %mul3A_0 = arith.muli %arg0, %mul3A : i32
    %add3A = arith.addi %mul3A_0, %arg1 : i32
    %mul3A_1 = arith.constant 6272 : i32
    %mul3A_2 = arith.muli %arg1, %mul3A_1 : i32
    "tpu.region"() ({
      %run_scoped3A = tpu.sem_alloc : memref<!tpu.dma_semaphore, #tpu.memory_space<semaphore_mem>>
      %dma_start3A_167 = arith.constant 0 : i32
      %dma_start3A_168 = tpu.memref_slice %arg21[%mul3A_2, %dma_start3A_167] : memref<100352x8xf32, #tpu.memory_space<vmem_shared>> -> memref<6272x8xf32, #tpu.memory_space<vmem_shared>>
      %dma_start3A_169 = arith.constant 0 : i32
      %dma_start3A_170 = tpu.memref_slice %arg8[%mul3A_2, %dma_start3A_169] : memref<100352x8xf32, #tpu.memory_space<hbm>> -> memref<6272x8xf32, #tpu.memory_space<hbm>>
      tpu.enqueue_dma source(%dma_start3A_170 : memref<6272x8xf32, #tpu.memory_space<hbm>>) target(%dma_start3A_168 : memref<6272x8xf32, #tpu.memory_space<vmem_shared>>) target_semaphore(%run_scoped3A : memref<!tpu.dma_semaphore, #tpu.memory_space<semaphore_mem>>)
      %dma_wait3A_171 = arith.constant 0 : i32
      %dma_wait3A_172 = tpu.memref_slice %arg21[%mul3A_2, %dma_wait3A_171] : memref<100352x8xf32, #tpu.memory_space<vmem_shared>> -> memref<6272x8xf32, #tpu.memory_space<vmem_shared>>
      %dma_wait3A_173 = arith.constant 0 : i32
      %dma_wait3A_174 = tpu.memref_slice %arg8[%mul3A_2, %dma_wait3A_173] : memref<100352x8xf32, #tpu.memory_space<hbm>> -> memref<6272x8xf32, #tpu.memory_space<hbm>>
      tpu.wait_dma2 semaphore(%run_scoped3A : memref<!tpu.dma_semaphore, #tpu.memory_space<semaphore_mem>>) src(%dma_wait3A_174 : memref<6272x8xf32, #tpu.memory_space<hbm>>) dst(%dma_wait3A_172 : memref<6272x8xf32, #tpu.memory_space<vmem_shared>>)
      tpu.yield
    }) : () -> ()
    %barrier3A = arith.constant 0 : index
    tpu.barrier barrier_id(%barrier3A)
    %iota3A = tpu.iota {dimensions = array<i32: 0>} : vector<16xi32>
    %shift_right_logical3A = arith.constant 3 : i32
    %shift_right_logical3A_3 = vector.broadcast %shift_right_logical3A : i32 to vector<16xi32>
    %shift_right_logical3A_4 = arith.shrui %iota3A, %shift_right_logical3A_3 : vector<16xi32>
    %and3A = arith.constant 7 : i32
    %and3A_5 = vector.broadcast %and3A : i32 to vector<16xi32>
    %and3A_6 = arith.andi %iota3A, %and3A_5 : vector<16xi32>
    %mul3A_7 = arith.constant 26 : i32
    %mul3A_8 = arith.muli %add3A, %mul3A_7 : i32
    %add3A_9 = arith.constant 0 : i32
    %add3A_10 = arith.addi %mul3A_8, %add3A_9 : i32
    %mul3A_11 = arith.constant 16 : i32
    %mul3A_12 = arith.muli %add3A_10, %mul3A_11 : i32
    %sub3A = arith.constant 30 : i32
    %sub3A_13 = arith.subi %add3A, %sub3A : i32
    %mul3A_14 = arith.constant 26 : i32
    %mul3A_15 = arith.muli %sub3A_13, %mul3A_14 : i32
    %add3A_16 = arith.constant 0 : i32
    %add3A_17 = arith.addi %mul3A_15, %add3A_16 : i32
    %mul3A_18 = arith.constant 16 : i32
    %mul3A_19 = arith.muli %add3A_17, %mul3A_18 : i32
    %lt3A = arith.constant 30 : i32
    %lt3A_20 = arith.cmpi slt, %add3A, %lt3A : i32
    %convert_element_type3A = arith.extui %lt3A_20 : i1 to i32
    %cond3A = arith.constant 0 : i32
    %cond3A_21 = arith.cmpi ne, %convert_element_type3A, %cond3A : i32
    scf.if %cond3A_21 {
      %dma_start3A_167 = arith.constant 0 : i32
      %dma_start3A_168 = arith.constant 0 : i32
      %dma_start3A_169 = tpu.memref_slice %arg3[%dma_start3A_167, %mul3A_12, %dma_start3A_168] : memref<2x12500x128xi32, #tpu.memory_space<hbm>> -> memref<1x16x128xi32, #tpu.memory_space<hbm>>
      %dma_start3A_170 = tpu.memref_squeeze %dma_start3A_169 : memref<1x16x128xi32, #tpu.memory_space<hbm>> -> memref<16x128xi32, #tpu.memory_space<hbm>>
      %dma_start3A_171 = arith.constant 0 : i32
      %dma_start3A_172 = tpu.memref_slice %arg3[%dma_start3A_167, %mul3A_12, %dma_start3A_171] : memref<2x12500x128xi32, #tpu.memory_space<hbm>> -> memref<1x16x128xi32, #tpu.memory_space<hbm>>
      %dma_start3A_173 = tpu.memref_squeeze %dma_start3A_172 : memref<1x16x128xi32, #tpu.memory_space<hbm>> -> memref<16x128xi32, #tpu.memory_space<hbm>>
      tpu.enqueue_dma source(%dma_start3A_173 : memref<16x128xi32, #tpu.memory_space<hbm>>) target(%arg11 : memref<16x128xi32, #tpu.memory_space<vmem>>) target_semaphore(%arg26 : memref<!tpu.dma_semaphore, #tpu.memory_space<semaphore_mem>>)
      %mul3A_174 = arith.constant 128 : i32
      %mul3A_175 = arith.muli %mul3A_12, %mul3A_174 : i32
      %dma_start3A_176 = tpu.memref_slice %arg4[%mul3A_175] : memref<1600000xf32, #tpu.memory_space<hbm>> -> memref<2048xf32, #tpu.memory_space<hbm>>
      %dma_start3A_177 = tpu.memref_slice %arg4[%mul3A_175] : memref<1600000xf32, #tpu.memory_space<hbm>> -> memref<2048xf32, #tpu.memory_space<hbm>>
      tpu.enqueue_dma source(%dma_start3A_177 : memref<2048xf32, #tpu.memory_space<hbm>>) target(%arg15 : memref<2048xf32, #tpu.memory_space<vmem>>) target_semaphore(%arg26 : memref<!tpu.dma_semaphore, #tpu.memory_space<semaphore_mem>>)
    } else {
    }
    %ge3A = arith.constant 30 : i32
    %ge3A_22 = arith.cmpi sge, %add3A, %ge3A : i32
    %convert_element_type3A_23 = arith.extui %ge3A_22 : i1 to i32
    %cond3A_24 = arith.constant 0 : i32
    %cond3A_25 = arith.cmpi ne, %convert_element_type3A_23, %cond3A_24 : i32
    scf.if %cond3A_25 {
      %dma_start3A_167 = arith.constant 0 : i32
      %dma_start3A_168 = tpu.memref_slice %arg5[%mul3A_19, %dma_start3A_167] : memref<832x128xi32, #tpu.memory_space<hbm>> -> memref<16x128xi32, #tpu.memory_space<hbm>>
      %dma_start3A_169 = arith.constant 0 : i32
      %dma_start3A_170 = tpu.memref_slice %arg5[%mul3A_19, %dma_start3A_169] : memref<832x128xi32, #tpu.memory_space<hbm>> -> memref<16x128xi32, #tpu.memory_space<hbm>>
      tpu.enqueue_dma source(%dma_start3A_170 : memref<16x128xi32, #tpu.memory_space<hbm>>) target(%arg11 : memref<16x128xi32, #tpu.memory_space<vmem>>) target_semaphore(%arg26 : memref<!tpu.dma_semaphore, #tpu.memory_space<semaphore_mem>>)
      %mul3A_171 = arith.constant 128 : i32
      %mul3A_172 = arith.muli %mul3A_19, %mul3A_171 : i32
      %dma_start3A_173 = tpu.memref_slice %arg7[%mul3A_172] : memref<106496xf32, #tpu.memory_space<hbm>> -> memref<2048xf32, #tpu.memory_space<hbm>>
      %dma_start3A_174 = tpu.memref_slice %arg7[%mul3A_172] : memref<106496xf32, #tpu.memory_space<hbm>> -> memref<2048xf32, #tpu.memory_space<hbm>>
      tpu.enqueue_dma source(%dma_start3A_174 : memref<2048xf32, #tpu.memory_space<hbm>>) target(%arg15 : memref<2048xf32, #tpu.memory_space<vmem>>) target_semaphore(%arg26 : memref<!tpu.dma_semaphore, #tpu.memory_space<semaphore_mem>>)
    } else {
    }
    %mul3A_26 = arith.constant 26 : i32
    %mul3A_27 = arith.muli %add3A, %mul3A_26 : i32
    %add3A_28 = arith.constant 0 : i32
    %add3A_29 = arith.addi %mul3A_27, %add3A_28 : i32
    %mul3A_30 = arith.constant 16 : i32
    %mul3A_31 = arith.muli %add3A_29, %mul3A_30 : i32
    %sub3A_32 = arith.constant 30 : i32
    %sub3A_33 = arith.subi %add3A, %sub3A_32 : i32
    %mul3A_34 = arith.constant 26 : i32
    %mul3A_35 = arith.muli %sub3A_33, %mul3A_34 : i32
    %add3A_36 = arith.constant 0 : i32
    %add3A_37 = arith.addi %mul3A_35, %add3A_36 : i32
    %mul3A_38 = arith.constant 16 : i32
    %mul3A_39 = arith.muli %add3A_37, %mul3A_38 : i32
    %lt3A_40 = arith.constant 30 : i32
    %lt3A_41 = arith.cmpi slt, %add3A, %lt3A_40 : i32
    %convert_element_type3A_42 = arith.extui %lt3A_41 : i1 to i32
    %cond3A_43 = arith.constant 0 : i32
    %cond3A_44 = arith.cmpi ne, %convert_element_type3A_42, %cond3A_43 : i32
    scf.if %cond3A_44 {
      %dma_start3A_167 = arith.constant 1 : i32
      %dma_start3A_168 = arith.constant 0 : i32
      %dma_start3A_169 = tpu.memref_slice %arg3[%dma_start3A_167, %mul3A_31, %dma_start3A_168] : memref<2x12500x128xi32, #tpu.memory_space<hbm>> -> memref<1x16x128xi32, #tpu.memory_space<hbm>>
      %dma_start3A_170 = tpu.memref_squeeze %dma_start3A_169 : memref<1x16x128xi32, #tpu.memory_space<hbm>> -> memref<16x128xi32, #tpu.memory_space<hbm>>
      %dma_start3A_171 = arith.constant 0 : i32
      %dma_start3A_172 = tpu.memref_slice %arg3[%dma_start3A_167, %mul3A_31, %dma_start3A_171] : memref<2x12500x128xi32, #tpu.memory_space<hbm>> -> memref<1x16x128xi32, #tpu.memory_space<hbm>>
      %dma_start3A_173 = tpu.memref_squeeze %dma_start3A_172 : memref<1x16x128xi32, #tpu.memory_space<hbm>> -> memref<16x128xi32, #tpu.memory_space<hbm>>
      tpu.enqueue_dma source(%dma_start3A_173 : memref<16x128xi32, #tpu.memory_space<hbm>>) target(%arg13 : memref<16x128xi32, #tpu.memory_space<vmem>>) target_semaphore(%arg28 : memref<!tpu.dma_semaphore, #tpu.memory_space<semaphore_mem>>)
    } else {
    }
    %ge3A_45 = arith.constant 30 : i32
    %ge3A_46 = arith.cmpi sge, %add3A, %ge3A_45 : i32
    %convert_element_type3A_47 = arith.extui %ge3A_46 : i1 to i32
    %cond3A_48 = arith.constant 0 : i32
    %cond3A_49 = arith.cmpi ne, %convert_element_type3A_47, %cond3A_48 : i32
    scf.if %cond3A_49 {
      %dma_start3A_167 = arith.constant 0 : i32
      %dma_start3A_168 = tpu.memref_slice %arg6[%mul3A_39, %dma_start3A_167] : memref<832x128xi32, #tpu.memory_space<hbm>> -> memref<16x128xi32, #tpu.memory_space<hbm>>
      %dma_start3A_169 = arith.constant 0 : i32
      %dma_start3A_170 = tpu.memref_slice %arg6[%mul3A_39, %dma_start3A_169] : memref<832x128xi32, #tpu.memory_space<hbm>> -> memref<16x128xi32, #tpu.memory_space<hbm>>
      tpu.enqueue_dma source(%dma_start3A_170 : memref<16x128xi32, #tpu.memory_space<hbm>>) target(%arg13 : memref<16x128xi32, #tpu.memory_space<vmem>>) target_semaphore(%arg28 : memref<!tpu.dma_semaphore, #tpu.memory_space<semaphore_mem>>)
    } else {
    }
    %mul3A_50 = arith.constant 26 : i32
    %mul3A_51 = arith.muli %add3A, %mul3A_50 : i32
    %add3A_52 = arith.constant 1 : i32
    %add3A_53 = arith.addi %mul3A_51, %add3A_52 : i32
    %mul3A_54 = arith.constant 16 : i32
    %mul3A_55 = arith.muli %add3A_53, %mul3A_54 : i32
    %sub3A_56 = arith.constant 30 : i32
    %sub3A_57 = arith.subi %add3A, %sub3A_56 : i32
    %mul3A_58 = arith.constant 26 : i32
    %mul3A_59 = arith.muli %sub3A_57, %mul3A_58 : i32
    %add3A_60 = arith.constant 1 : i32
    %add3A_61 = arith.addi %mul3A_59, %add3A_60 : i32
    %mul3A_62 = arith.constant 16 : i32
    %mul3A_63 = arith.muli %add3A_61, %mul3A_62 : i32
    %lt3A_64 = arith.constant 30 : i32
    %lt3A_65 = arith.cmpi slt, %add3A, %lt3A_64 : i32
    %convert_element_type3A_66 = arith.extui %lt3A_65 : i1 to i32
    %cond3A_67 = arith.constant 0 : i32
    %cond3A_68 = arith.cmpi ne, %convert_element_type3A_66, %cond3A_67 : i32
    scf.if %cond3A_68 {
      %dma_start3A_167 = arith.constant 0 : i32
      %dma_start3A_168 = arith.constant 0 : i32
      %dma_start3A_169 = tpu.memref_slice %arg3[%dma_start3A_167, %mul3A_55, %dma_start3A_168] : memref<2x12500x128xi32, #tpu.memory_space<hbm>> -> memref<1x16x128xi32, #tpu.memory_space<hbm>>
      %dma_start3A_170 = tpu.memref_squeeze %dma_start3A_169 : memref<1x16x128xi32, #tpu.memory_space<hbm>> -> memref<16x128xi32, #tpu.memory_space<hbm>>
      %dma_start3A_171 = arith.constant 0 : i32
      %dma_start3A_172 = tpu.memref_slice %arg3[%dma_start3A_167, %mul3A_55, %dma_start3A_171] : memref<2x12500x128xi32, #tpu.memory_space<hbm>> -> memref<1x16x128xi32, #tpu.memory_space<hbm>>
      %dma_start3A_173 = tpu.memref_squeeze %dma_start3A_172 : memref<1x16x128xi32, #tpu.memory_space<hbm>> -> memref<16x128xi32, #tpu.memory_space<hbm>>
      tpu.enqueue_dma source(%dma_start3A_173 : memref<16x128xi32, #tpu.memory_space<hbm>>) target(%arg12 : memref<16x128xi32, #tpu.memory_space<vmem>>) target_semaphore(%arg27 : memref<!tpu.dma_semaphore, #tpu.memory_space<semaphore_mem>>)
      %mul3A_174 = arith.constant 128 : i32
      %mul3A_175 = arith.muli %mul3A_55, %mul3A_174 : i32
      %dma_start3A_176 = tpu.memref_slice %arg4[%mul3A_175] : memref<1600000xf32, #tpu.memory_space<hbm>> -> memref<2048xf32, #tpu.memory_space<hbm>>
      %dma_start3A_177 = tpu.memref_slice %arg4[%mul3A_175] : memref<1600000xf32, #tpu.memory_space<hbm>> -> memref<2048xf32, #tpu.memory_space<hbm>>
      tpu.enqueue_dma source(%dma_start3A_177 : memref<2048xf32, #tpu.memory_space<hbm>>) target(%arg16 : memref<2048xf32, #tpu.memory_space<vmem>>) target_semaphore(%arg27 : memref<!tpu.dma_semaphore, #tpu.memory_space<semaphore_mem>>)
    } else {
    }
    %ge3A_69 = arith.constant 30 : i32
    %ge3A_70 = arith.cmpi sge, %add3A, %ge3A_69 : i32
    %convert_element_type3A_71 = arith.extui %ge3A_70 : i1 to i32
    %cond3A_72 = arith.constant 0 : i32
    %cond3A_73 = arith.cmpi ne, %convert_element_type3A_71, %cond3A_72 : i32
    scf.if %cond3A_73 {
      %dma_start3A_167 = arith.constant 0 : i32
      %dma_start3A_168 = tpu.memref_slice %arg5[%mul3A_63, %dma_start3A_167] : memref<832x128xi32, #tpu.memory_space<hbm>> -> memref<16x128xi32, #tpu.memory_space<hbm>>
      %dma_start3A_169 = arith.constant 0 : i32
      %dma_start3A_170 = tpu.memref_slice %arg5[%mul3A_63, %dma_start3A_169] : memref<832x128xi32, #tpu.memory_space<hbm>> -> memref<16x128xi32, #tpu.memory_space<hbm>>
      tpu.enqueue_dma source(%dma_start3A_170 : memref<16x128xi32, #tpu.memory_space<hbm>>) target(%arg12 : memref<16x128xi32, #tpu.memory_space<vmem>>) target_semaphore(%arg27 : memref<!tpu.dma_semaphore, #tpu.memory_space<semaphore_mem>>)
      %mul3A_171 = arith.constant 128 : i32
      %mul3A_172 = arith.muli %mul3A_63, %mul3A_171 : i32
      %dma_start3A_173 = tpu.memref_slice %arg7[%mul3A_172] : memref<106496xf32, #tpu.memory_space<hbm>> -> memref<2048xf32, #tpu.memory_space<hbm>>
      %dma_start3A_174 = tpu.memref_slice %arg7[%mul3A_172] : memref<106496xf32, #tpu.memory_space<hbm>> -> memref<2048xf32, #tpu.memory_space<hbm>>
      tpu.enqueue_dma source(%dma_start3A_174 : memref<2048xf32, #tpu.memory_space<hbm>>) target(%arg16 : memref<2048xf32, #tpu.memory_space<vmem>>) target_semaphore(%arg27 : memref<!tpu.dma_semaphore, #tpu.memory_space<semaphore_mem>>)
    } else {
    }
    %mul3A_74 = arith.constant 26 : i32
    %mul3A_75 = arith.muli %add3A, %mul3A_74 : i32
    %add3A_76 = arith.constant 1 : i32
    %add3A_77 = arith.addi %mul3A_75, %add3A_76 : i32
    %mul3A_78 = arith.constant 16 : i32
    %mul3A_79 = arith.muli %add3A_77, %mul3A_78 : i32
    %sub3A_80 = arith.constant 30 : i32
    %sub3A_81 = arith.subi %add3A, %sub3A_80 : i32
    %mul3A_82 = arith.constant 26 : i32
    %mul3A_83 = arith.muli %sub3A_81, %mul3A_82 : i32
    %add3A_84 = arith.constant 1 : i32
    %add3A_85 = arith.addi %mul3A_83, %add3A_84 : i32
    %mul3A_86 = arith.constant 16 : i32
    %mul3A_87 = arith.muli %add3A_85, %mul3A_86 : i32
    %lt3A_88 = arith.constant 30 : i32
    %lt3A_89 = arith.cmpi slt, %add3A, %lt3A_88 : i32
    %convert_element_type3A_90 = arith.extui %lt3A_89 : i1 to i32
    %cond3A_91 = arith.constant 0 : i32
    %cond3A_92 = arith.cmpi ne, %convert_element_type3A_90, %cond3A_91 : i32
    scf.if %cond3A_92 {
      %dma_start3A_167 = arith.constant 1 : i32
      %dma_start3A_168 = arith.constant 0 : i32
      %dma_start3A_169 = tpu.memref_slice %arg3[%dma_start3A_167, %mul3A_79, %dma_start3A_168] : memref<2x12500x128xi32, #tpu.memory_space<hbm>> -> memref<1x16x128xi32, #tpu.memory_space<hbm>>
      %dma_start3A_170 = tpu.memref_squeeze %dma_start3A_169 : memref<1x16x128xi32, #tpu.memory_space<hbm>> -> memref<16x128xi32, #tpu.memory_space<hbm>>
      %dma_start3A_171 = arith.constant 0 : i32
      %dma_start3A_172 = tpu.memref_slice %arg3[%dma_start3A_167, %mul3A_79, %dma_start3A_171] : memref<2x12500x128xi32, #tpu.memory_space<hbm>> -> memref<1x16x128xi32, #tpu.memory_space<hbm>>
      %dma_start3A_173 = tpu.memref_squeeze %dma_start3A_172 : memref<1x16x128xi32, #tpu.memory_space<hbm>> -> memref<16x128xi32, #tpu.memory_space<hbm>>
      tpu.enqueue_dma source(%dma_start3A_173 : memref<16x128xi32, #tpu.memory_space<hbm>>) target(%arg14 : memref<16x128xi32, #tpu.memory_space<vmem>>) target_semaphore(%arg29 : memref<!tpu.dma_semaphore, #tpu.memory_space<semaphore_mem>>)
    } else {
    }
    %ge3A_93 = arith.constant 30 : i32
    %ge3A_94 = arith.cmpi sge, %add3A, %ge3A_93 : i32
    %convert_element_type3A_95 = arith.extui %ge3A_94 : i1 to i32
    %cond3A_96 = arith.constant 0 : i32
    %cond3A_97 = arith.cmpi ne, %convert_element_type3A_95, %cond3A_96 : i32
    scf.if %cond3A_97 {
      %dma_start3A_167 = arith.constant 0 : i32
      %dma_start3A_168 = tpu.memref_slice %arg6[%mul3A_87, %dma_start3A_167] : memref<832x128xi32, #tpu.memory_space<hbm>> -> memref<16x128xi32, #tpu.memory_space<hbm>>
      %dma_start3A_169 = arith.constant 0 : i32
      %dma_start3A_170 = tpu.memref_slice %arg6[%mul3A_87, %dma_start3A_169] : memref<832x128xi32, #tpu.memory_space<hbm>> -> memref<16x128xi32, #tpu.memory_space<hbm>>
      tpu.enqueue_dma source(%dma_start3A_170 : memref<16x128xi32, #tpu.memory_space<hbm>>) target(%arg14 : memref<16x128xi32, #tpu.memory_space<vmem>>) target_semaphore(%arg29 : memref<!tpu.dma_semaphore, #tpu.memory_space<semaphore_mem>>)
    } else {
    }
    %dma_wait3A = arith.constant 0 : i32
    %dma_wait3A_98 = arith.constant 0 : i32
    %dma_wait3A_99 = tpu.memref_slice %arg5[%dma_wait3A, %dma_wait3A_98] : memref<832x128xi32, #tpu.memory_space<hbm>> -> memref<16x128xi32, #tpu.memory_space<hbm>>
    %dma_wait3A_100 = arith.constant 0 : i32
    %dma_wait3A_101 = arith.constant 0 : i32
    %dma_wait3A_102 = tpu.memref_slice %arg5[%dma_wait3A_100, %dma_wait3A_101] : memref<832x128xi32, #tpu.memory_space<hbm>> -> memref<16x128xi32, #tpu.memory_space<hbm>>
    tpu.wait_dma2 semaphore(%arg26 : memref<!tpu.dma_semaphore, #tpu.memory_space<semaphore_mem>>) src(%dma_wait3A_102 : memref<16x128xi32, #tpu.memory_space<hbm>>) dst(%arg11 : memref<16x128xi32, #tpu.memory_space<vmem>>)
    %dma_wait3A_103 = arith.constant 0 : i32
    %dma_wait3A_104 = tpu.memref_slice %arg7[%dma_wait3A_103] : memref<106496xf32, #tpu.memory_space<hbm>> -> memref<2048xf32, #tpu.memory_space<hbm>>
    %dma_wait3A_105 = arith.constant 0 : i32
    %dma_wait3A_106 = tpu.memref_slice %arg7[%dma_wait3A_105] : memref<106496xf32, #tpu.memory_space<hbm>> -> memref<2048xf32, #tpu.memory_space<hbm>>
    tpu.wait_dma2 semaphore(%arg26 : memref<!tpu.dma_semaphore, #tpu.memory_space<semaphore_mem>>) src(%dma_wait3A_106 : memref<2048xf32, #tpu.memory_space<hbm>>) dst(%arg15 : memref<2048xf32, #tpu.memory_space<vmem>>)
    %scan3A = arith.constant 0 : i32
    %scan3A_107 = arith.constant 0 : i32
    %scan3A_108 = arith.constant 16 : i32
    %scan3A_109 = arith.addi %scan3A_107, %scan3A_108 : i32
    %scan3A_110 = arith.constant 1 : i32
    scf.for %scan3A_167 = %scan3A_107 to %scan3A_109 step %scan3A_110  : i32 {
      %mul3A_168 = arith.constant 128 : i32
      %mul3A_169 = arith.muli %scan3A_167, %mul3A_168 : i32
      %dma_start3A_170 = arith.constant 0 : i32
      %dma_start3A_171 = tpu.memref_slice %arg17[%mul3A_169, %dma_start3A_170] : memref<2048x8xf32, #tpu.memory_space<vmem>> -> memref<128x8xf32, #tpu.memory_space<vmem>>
      %dma_start3A_172 = arith.constant 0 : i32
      %dma_start3A_173 = tpu.memref_slice %arg11[%scan3A_167, %dma_start3A_172] : memref<16x128xi32, #tpu.memory_space<vmem>> -> memref<1x128xi32, #tpu.memory_space<vmem>>
      %dma_start3A_174 = tpu.memref_squeeze %dma_start3A_173 : memref<1x128xi32, #tpu.memory_space<vmem>> -> memref<128xi32, #tpu.memory_space<vmem>>
      %dma_start3A_175 = arith.constant 0 : i32
      %dma_start3A_176 = arith.constant 0 : i32
      %dma_start3A_177 = tpu.memref_slice %arg2[%dma_start3A_175, %dma_start3A_176] : memref<100000x8xf32, #tpu.memory_space<hbm>> -> memref<100000x8xf32, #tpu.memory_space<hbm>>
      tpu.enqueue_indirect_dma source(%dma_start3A_177 : memref<100000x8xf32, #tpu.memory_space<hbm>>) target(%dma_start3A_171 : memref<128x8xf32, #tpu.memory_space<vmem>>) offsets(%dma_start3A_174 : memref<128xi32, #tpu.memory_space<vmem>>) semaphore(%arg22 : memref<!tpu.dma_semaphore, #tpu.memory_space<semaphore_mem>>)
    }
    %scan3A_111 = arith.constant 16 : i32
    %dma_start3A = arith.constant 0 : i32
    %dma_start3A_112 = arith.constant 0 : i32
    %dma_start3A_113 = tpu.memref_slice %arg8[%dma_start3A, %dma_start3A_112] : memref<100352x8xf32, #tpu.memory_space<hbm>> -> memref<2048x8xf32, #tpu.memory_space<hbm>>
    %dma_start3A_114 = arith.constant 0 : i32
    %dma_start3A_115 = arith.constant 0 : i32
    %dma_start3A_116 = tpu.memref_slice %arg8[%dma_start3A_114, %dma_start3A_115] : memref<100352x8xf32, #tpu.memory_space<hbm>> -> memref<2048x8xf32, #tpu.memory_space<hbm>>
    tpu.enqueue_dma source(%dma_start3A_116 : memref<2048x8xf32, #tpu.memory_space<hbm>>) target(%arg20 : memref<2048x8xf32, #tpu.memory_space<vmem>>) target_semaphore(%arg25 : memref<!tpu.dma_semaphore, #tpu.memory_space<semaphore_mem>>)
    %scan3A_117 = arith.constant 0 : i32
    %scan3A_118 = arith.constant 0 : i32
    %scan3A_119 = arith.constant 13 : i32
    %scan3A_120 = arith.addi %scan3A_118, %scan3A_119 : i32
    %scan3A_121 = arith.constant 1 : i32
    scf.for %scan3A_167 = %scan3A_118 to %scan3A_120 step %scan3A_121  : i32 {
      %mul3A_168 = arith.constant 2 : i32
      %mul3A_169 = arith.muli %scan3A_167, %mul3A_168 : i32
      %add3A_170 = arith.constant 1 : i32
      %add3A_171 = arith.addi %mul3A_169, %add3A_170 : i32
      %min3A = arith.constant 25 : i32
      %min3A_172 = arith.minsi %add3A_171, %min3A : i32
      %add3A_173 = arith.constant 2 : i32
      %add3A_174 = arith.addi %mul3A_169, %add3A_173 : i32
      %min3A_175 = arith.constant 25 : i32
      %min3A_176 = arith.minsi %add3A_174, %min3A_175 : i32
      %dma_wait3A_177 = arith.constant 0 : i32
      %dma_wait3A_178 = arith.constant 0 : i32
      %dma_wait3A_179 = tpu.memref_slice %arg5[%dma_wait3A_177, %dma_wait3A_178] : memref<832x128xi32, #tpu.memory_space<hbm>> -> memref<16x128xi32, #tpu.memory_space<hbm>>
      %dma_wait3A_180 = arith.constant 0 : i32
      %dma_wait3A_181 = arith.constant 0 : i32
      %dma_wait3A_182 = tpu.memref_slice %arg5[%dma_wait3A_180, %dma_wait3A_181] : memref<832x128xi32, #tpu.memory_space<hbm>> -> memref<16x128xi32, #tpu.memory_space<hbm>>
      tpu.wait_dma2 semaphore(%arg27 : memref<!tpu.dma_semaphore, #tpu.memory_space<semaphore_mem>>) src(%dma_wait3A_182 : memref<16x128xi32, #tpu.memory_space<hbm>>) dst(%arg12 : memref<16x128xi32, #tpu.memory_space<vmem>>)
      %dma_wait3A_183 = arith.constant 0 : i32
      %dma_wait3A_184 = tpu.memref_slice %arg7[%dma_wait3A_183] : memref<106496xf32, #tpu.memory_space<hbm>> -> memref<2048xf32, #tpu.memory_space<hbm>>
      %dma_wait3A_185 = arith.constant 0 : i32
      %dma_wait3A_186 = tpu.memref_slice %arg7[%dma_wait3A_185] : memref<106496xf32, #tpu.memory_space<hbm>> -> memref<2048xf32, #tpu.memory_space<hbm>>
      tpu.wait_dma2 semaphore(%arg27 : memref<!tpu.dma_semaphore, #tpu.memory_space<semaphore_mem>>) src(%dma_wait3A_186 : memref<2048xf32, #tpu.memory_space<hbm>>) dst(%arg16 : memref<2048xf32, #tpu.memory_space<vmem>>)
      %scan3A_187 = arith.constant 0 : i32
      %scan3A_188 = arith.constant 0 : i32
      %scan3A_189 = arith.constant 16 : i32
      %scan3A_190 = arith.addi %scan3A_188, %scan3A_189 : i32
      %scan3A_191 = arith.constant 1 : i32
      scf.for %scan3A_369 = %scan3A_188 to %scan3A_190 step %scan3A_191  : i32 {
        %mul3A_370 = arith.constant 128 : i32
        %mul3A_371 = arith.muli %scan3A_369, %mul3A_370 : i32
        %dma_start3A_372 = arith.constant 0 : i32
        %dma_start3A_373 = tpu.memref_slice %arg18[%mul3A_371, %dma_start3A_372] : memref<2048x8xf32, #tpu.memory_space<vmem>> -> memref<128x8xf32, #tpu.memory_space<vmem>>
        %dma_start3A_374 = arith.constant 0 : i32
        %dma_start3A_375 = tpu.memref_slice %arg12[%scan3A_369, %dma_start3A_374] : memref<16x128xi32, #tpu.memory_space<vmem>> -> memref<1x128xi32, #tpu.memory_space<vmem>>
        %dma_start3A_376 = tpu.memref_squeeze %dma_start3A_375 : memref<1x128xi32, #tpu.memory_space<vmem>> -> memref<128xi32, #tpu.memory_space<vmem>>
        %dma_start3A_377 = arith.constant 0 : i32
        %dma_start3A_378 = arith.constant 0 : i32
        %dma_start3A_379 = tpu.memref_slice %arg2[%dma_start3A_377, %dma_start3A_378] : memref<100000x8xf32, #tpu.memory_space<hbm>> -> memref<100000x8xf32, #tpu.memory_space<hbm>>
        tpu.enqueue_indirect_dma source(%dma_start3A_379 : memref<100000x8xf32, #tpu.memory_space<hbm>>) target(%dma_start3A_373 : memref<128x8xf32, #tpu.memory_space<vmem>>) offsets(%dma_start3A_376 : memref<128xi32, #tpu.memory_space<vmem>>) semaphore(%arg23 : memref<!tpu.dma_semaphore, #tpu.memory_space<semaphore_mem>>)
      }
      %scan3A_192 = arith.constant 16 : i32
      %dma_wait3A_193 = arith.constant 0 : i32
      %dma_wait3A_194 = arith.constant 0 : i32
      %dma_wait3A_195 = tpu.memref_slice %arg8[%dma_wait3A_193, %dma_wait3A_194] : memref<100352x8xf32, #tpu.memory_space<hbm>> -> memref<2048x8xf32, #tpu.memory_space<hbm>>
      %dma_wait3A_196 = arith.constant 0 : i32
      %dma_wait3A_197 = arith.constant 0 : i32
      %dma_wait3A_198 = tpu.memref_slice %arg8[%dma_wait3A_196, %dma_wait3A_197] : memref<100352x8xf32, #tpu.memory_space<hbm>> -> memref<2048x8xf32, #tpu.memory_space<hbm>>
      tpu.wait_dma2 semaphore(%arg22 : memref<!tpu.dma_semaphore, #tpu.memory_space<semaphore_mem>>) src(%dma_wait3A_198 : memref<2048x8xf32, #tpu.memory_space<hbm>>) dst(%arg17 : memref<2048x8xf32, #tpu.memory_space<vmem>>)
      %scan3A_199 = arith.constant 0 : i32
      %scan3A_200 = arith.constant 0 : i32
      %scan3A_201 = arith.constant 128 : i32
      %scan3A_202 = arith.addi %scan3A_200, %scan3A_201 : i32
      %scan3A_203 = arith.constant 1 : i32
      scf.for %scan3A_369 = %scan3A_200 to %scan3A_202 step %scan3A_203  : i32 {
        %mul3A_370 = arith.constant 16 : i32
        %mul3A_371 = arith.muli %scan3A_369, %mul3A_370 : i32
        %add3A_372 = arith.constant 0 : i32
        %add3A_373 = arith.addi %mul3A_371, %add3A_372 : i32
        %add3A_374 = vector.broadcast %add3A_373 : i32 to vector<16xi32>
        %add3A_375 = arith.addi %shift_right_logical3A_4, %add3A_374 : vector<16xi32>
        %gather3A = tpu.vector_load_idx %arg17[%add3A_375, %and3A_6] : memref<2048x8xf32, #tpu.memory_space<vmem>>[vector<16xi32>, vector<16xi32>], vector<16xf32>,
        %gather3A_376 = tpu.vector_load_idx %arg15[%add3A_375] : memref<2048xf32, #tpu.memory_space<vmem>>[vector<16xi32>], vector<16xf32>,
        %mul3A_377 = arith.mulf %gather3A, %gather3A_376 : vector<16xf32>
        tpu.vector_store_idx %arg19[%add3A_375, %and3A_6], %mul3A_377 : memref<2048x8xf32, #tpu.memory_space<vmem>>[vector<16xi32>, vector<16xi32>], vector<16xf32>,
        %add3A_378 = arith.constant 2 : i32
        %add3A_379 = arith.addi %mul3A_371, %add3A_378 : i32
        %add3A_380 = vector.broadcast %add3A_379 : i32 to vector<16xi32>
        %add3A_381 = arith.addi %shift_right_logical3A_4, %add3A_380 : vector<16xi32>
        %gather3A_382 = tpu.vector_load_idx %arg17[%add3A_381, %and3A_6] : memref<2048x8xf32, #tpu.memory_space<vmem>>[vector<16xi32>, vector<16xi32>], vector<16xf32>,
        %gather3A_383 = tpu.vector_load_idx %arg15[%add3A_381] : memref<2048xf32, #tpu.memory_space<vmem>>[vector<16xi32>], vector<16xf32>,
        %mul3A_384 = arith.mulf %gather3A_382, %gather3A_383 : vector<16xf32>
        tpu.vector_store_idx %arg19[%add3A_381, %and3A_6], %mul3A_384 : memref<2048x8xf32, #tpu.memory_space<vmem>>[vector<16xi32>, vector<16xi32>], vector<16xf32>,
        %add3A_385 = arith.constant 4 : i32
        %add3A_386 = arith.addi %mul3A_371, %add3A_385 : i32
        %add3A_387 = vector.broadcast %add3A_386 : i32 to vector<16xi32>
        %add3A_388 = arith.addi %shift_right_logical3A_4, %add3A_387 : vector<16xi32>
        %gather3A_389 = tpu.vector_load_idx %arg17[%add3A_388, %and3A_6] : memref<2048x8xf32, #tpu.memory_space<vmem>>[vector<16xi32>, vector<16xi32>], vector<16xf32>,
        %gather3A_390 = tpu.vector_load_idx %arg15[%add3A_388] : memref<2048xf32, #tpu.memory_space<vmem>>[vector<16xi32>], vector<16xf32>,
        %mul3A_391 = arith.mulf %gather3A_389, %gather3A_390 : vector<16xf32>
        tpu.vector_store_idx %arg19[%add3A_388, %and3A_6], %mul3A_391 : memref<2048x8xf32, #tpu.memory_space<vmem>>[vector<16xi32>, vector<16xi32>], vector<16xf32>,
        %add3A_392 = arith.constant 6 : i32
        %add3A_393 = arith.addi %mul3A_371, %add3A_392 : i32
        %add3A_394 = vector.broadcast %add3A_393 : i32 to vector<16xi32>
        %add3A_395 = arith.addi %shift_right_logical3A_4, %add3A_394 : vector<16xi32>
        %gather3A_396 = tpu.vector_load_idx %arg17[%add3A_395, %and3A_6] : memref<2048x8xf32, #tpu.memory_space<vmem>>[vector<16xi32>, vector<16xi32>], vector<16xf32>,
        %gather3A_397 = tpu.vector_load_idx %arg15[%add3A_395] : memref<2048xf32, #tpu.memory_space<vmem>>[vector<16xi32>], vector<16xf32>,
        %mul3A_398 = arith.mulf %gather3A_396, %gather3A_397 : vector<16xf32>
        tpu.vector_store_idx %arg19[%add3A_395, %and3A_6], %mul3A_398 : memref<2048x8xf32, #tpu.memory_space<vmem>>[vector<16xi32>, vector<16xi32>], vector<16xf32>,
        %add3A_399 = arith.constant 8 : i32
        %add3A_400 = arith.addi %mul3A_371, %add3A_399 : i32
        %add3A_401 = vector.broadcast %add3A_400 : i32 to vector<16xi32>
        %add3A_402 = arith.addi %shift_right_logical3A_4, %add3A_401 : vector<16xi32>
        %gather3A_403 = tpu.vector_load_idx %arg17[%add3A_402, %and3A_6] : memref<2048x8xf32, #tpu.memory_space<vmem>>[vector<16xi32>, vector<16xi32>], vector<16xf32>,
        %gather3A_404 = tpu.vector_load_idx %arg15[%add3A_402] : memref<2048xf32, #tpu.memory_space<vmem>>[vector<16xi32>], vector<16xf32>,
        %mul3A_405 = arith.mulf %gather3A_403, %gather3A_404 : vector<16xf32>
        tpu.vector_store_idx %arg19[%add3A_402, %and3A_6], %mul3A_405 : memref<2048x8xf32, #tpu.memory_space<vmem>>[vector<16xi32>, vector<16xi32>], vector<16xf32>,
        %add3A_406 = arith.constant 10 : i32
        %add3A_407 = arith.addi %mul3A_371, %add3A_406 : i32
        %add3A_408 = vector.broadcast %add3A_407 : i32 to vector<16xi32>
        %add3A_409 = arith.addi %shift_right_logical3A_4, %add3A_408 : vector<16xi32>
        %gather3A_410 = tpu.vector_load_idx %arg17[%add3A_409, %and3A_6] : memref<2048x8xf32, #tpu.memory_space<vmem>>[vector<16xi32>, vector<16xi32>], vector<16xf32>,
        %gather3A_411 = tpu.vector_load_idx %arg15[%add3A_409] : memref<2048xf32, #tpu.memory_space<vmem>>[vector<16xi32>], vector<16xf32>,
        %mul3A_412 = arith.mulf %gather3A_410, %gather3A_411 : vector<16xf32>
        tpu.vector_store_idx %arg19[%add3A_409, %and3A_6], %mul3A_412 : memref<2048x8xf32, #tpu.memory_space<vmem>>[vector<16xi32>, vector<16xi32>], vector<16xf32>,
        %add3A_413 = arith.constant 12 : i32
        %add3A_414 = arith.addi %mul3A_371, %add3A_413 : i32
        %add3A_415 = vector.broadcast %add3A_414 : i32 to vector<16xi32>
        %add3A_416 = arith.addi %shift_right_logical3A_4, %add3A_415 : vector<16xi32>
        %gather3A_417 = tpu.vector_load_idx %arg17[%add3A_416, %and3A_6] : memref<2048x8xf32, #tpu.memory_space<vmem>>[vector<16xi32>, vector<16xi32>], vector<16xf32>,
        %gather3A_418 = tpu.vector_load_idx %arg15[%add3A_416] : memref<2048xf32, #tpu.memory_space<vmem>>[vector<16xi32>], vector<16xf32>,
        %mul3A_419 = arith.mulf %gather3A_417, %gather3A_418 : vector<16xf32>
        tpu.vector_store_idx %arg19[%add3A_416, %and3A_6], %mul3A_419 : memref<2048x8xf32, #tpu.memory_space<vmem>>[vector<16xi32>, vector<16xi32>], vector<16xf32>,
        %add3A_420 = arith.constant 14 : i32
        %add3A_421 = arith.addi %mul3A_371, %add3A_420 : i32
        %add3A_422 = vector.broadcast %add3A_421 : i32 to vector<16xi32>
        %add3A_423 = arith.addi %shift_right_logical3A_4, %add3A_422 : vector<16xi32>
        %gather3A_424 = tpu.vector_load_idx %arg17[%add3A_423, %and3A_6] : memref<2048x8xf32, #tpu.memory_space<vmem>>[vector<16xi32>, vector<16xi32>], vector<16xf32>,
        %gather3A_425 = tpu.vector_load_idx %arg15[%add3A_423] : memref<2048xf32, #tpu.memory_space<vmem>>[vector<16xi32>], vector<16xf32>,
        %mul3A_426 = arith.mulf %gather3A_424, %gather3A_425 : vector<16xf32>
        tpu.vector_store_idx %arg19[%add3A_423, %and3A_6], %mul3A_426 : memref<2048x8xf32, #tpu.memory_space<vmem>>[vector<16xi32>, vector<16xi32>], vector<16xf32>,
      }
      %scan3A_204 = arith.constant 128 : i32
      %dma_wait3A_205 = arith.constant 0 : i32
      %dma_wait3A_206 = arith.constant 0 : i32
      %dma_wait3A_207 = tpu.memref_slice %arg8[%dma_wait3A_205, %dma_wait3A_206] : memref<100352x8xf32, #tpu.memory_space<hbm>> -> memref<2048x8xf32, #tpu.memory_space<hbm>>
      %dma_wait3A_208 = arith.constant 0 : i32
      %dma_wait3A_209 = arith.constant 0 : i32
      %dma_wait3A_210 = tpu.memref_slice %arg8[%dma_wait3A_208, %dma_wait3A_209] : memref<100352x8xf32, #tpu.memory_space<hbm>> -> memref<2048x8xf32, #tpu.memory_space<hbm>>
      tpu.wait_dma2 semaphore(%arg25 : memref<!tpu.dma_semaphore, #tpu.memory_space<semaphore_mem>>) src(%dma_wait3A_210 : memref<2048x8xf32, #tpu.memory_space<hbm>>) dst(%arg20 : memref<2048x8xf32, #tpu.memory_space<vmem>>)
      %dma_wait3A_211 = arith.constant 0 : i32
      %dma_wait3A_212 = arith.constant 0 : i32
      %dma_wait3A_213 = tpu.memref_slice %arg6[%dma_wait3A_211, %dma_wait3A_212] : memref<832x128xi32, #tpu.memory_space<hbm>> -> memref<16x128xi32, #tpu.memory_space<hbm>>
      %dma_wait3A_214 = arith.constant 0 : i32
      %dma_wait3A_215 = arith.constant 0 : i32
      %dma_wait3A_216 = tpu.memref_slice %arg6[%dma_wait3A_214, %dma_wait3A_215] : memref<832x128xi32, #tpu.memory_space<hbm>> -> memref<16x128xi32, #tpu.memory_space<hbm>>
      tpu.wait_dma2 semaphore(%arg28 : memref<!tpu.dma_semaphore, #tpu.memory_space<semaphore_mem>>) src(%dma_wait3A_216 : memref<16x128xi32, #tpu.memory_space<hbm>>) dst(%arg13 : memref<16x128xi32, #tpu.memory_space<vmem>>)
      %scan3A_217 = arith.constant 0 : i32
      %scan3A_218 = arith.constant 0 : i32
      %scan3A_219 = arith.constant 16 : i32
      %scan3A_220 = arith.addi %scan3A_218, %scan3A_219 : i32
      %scan3A_221 = arith.constant 1 : i32
      scf.for %scan3A_369 = %scan3A_218 to %scan3A_220 step %scan3A_221  : i32 {
        %mul3A_370 = arith.constant 128 : i32
        %mul3A_371 = arith.muli %scan3A_369, %mul3A_370 : i32
        %dma_start3A_372 = arith.constant 0 : i32
        %dma_start3A_373 = tpu.memref_slice %arg19[%mul3A_371, %dma_start3A_372] : memref<2048x8xf32, #tpu.memory_space<vmem>> -> memref<128x8xf32, #tpu.memory_space<vmem>>
        %dma_start3A_374 = arith.constant 0 : i32
        %dma_start3A_375 = tpu.memref_slice %arg13[%scan3A_369, %dma_start3A_374] : memref<16x128xi32, #tpu.memory_space<vmem>> -> memref<1x128xi32, #tpu.memory_space<vmem>>
        %dma_start3A_376 = tpu.memref_squeeze %dma_start3A_375 : memref<1x128xi32, #tpu.memory_space<vmem>> -> memref<128xi32, #tpu.memory_space<vmem>>
        %dma_start3A_377 = arith.constant 0 : i32
        %dma_start3A_378 = arith.constant 0 : i32
        %dma_start3A_379 = tpu.memref_slice %arg21[%dma_start3A_377, %dma_start3A_378] : memref<100352x8xf32, #tpu.memory_space<vmem_shared>> -> memref<100352x8xf32, #tpu.memory_space<vmem_shared>>
        tpu.enqueue_indirect_dma source(%dma_start3A_373 : memref<128x8xf32, #tpu.memory_space<vmem>>) target(%dma_start3A_379 : memref<100352x8xf32, #tpu.memory_space<vmem_shared>>) offsets(%dma_start3A_376 : memref<128xi32, #tpu.memory_space<vmem>>) semaphore(%arg24 : memref<!tpu.dma_semaphore, #tpu.memory_space<semaphore_mem>>) {add = true}
      }
      %scan3A_222 = arith.constant 16 : i32
      %mul3A_223 = arith.constant 26 : i32
      %mul3A_224 = arith.muli %add3A, %mul3A_223 : i32
      %add3A_225 = arith.addi %mul3A_224, %min3A_172 : i32
      %mul3A_226 = arith.constant 16 : i32
      %mul3A_227 = arith.muli %add3A_225, %mul3A_226 : i32
      %sub3A_228 = arith.constant 30 : i32
      %sub3A_229 = arith.subi %add3A, %sub3A_228 : i32
      %mul3A_230 = arith.constant 26 : i32
      %mul3A_231 = arith.muli %sub3A_229, %mul3A_230 : i32
      %add3A_232 = arith.addi %mul3A_231, %min3A_172 : i32
      %mul3A_233 = arith.constant 16 : i32
      %mul3A_234 = arith.muli %add3A_232, %mul3A_233 : i32
      %lt3A_235 = arith.constant 30 : i32
      %lt3A_236 = arith.cmpi slt, %add3A, %lt3A_235 : i32
      %convert_element_type3A_237 = arith.extui %lt3A_236 : i1 to i32
      %cond3A_238 = arith.constant 0 : i32
      %cond3A_239 = arith.cmpi ne, %convert_element_type3A_237, %cond3A_238 : i32
      scf.if %cond3A_239 {
        %dma_start3A_369 = arith.constant 1 : i32
        %dma_start3A_370 = arith.constant 0 : i32
        %dma_start3A_371 = tpu.memref_slice %arg3[%dma_start3A_369, %mul3A_227, %dma_start3A_370] : memref<2x12500x128xi32, #tpu.memory_space<hbm>> -> memref<1x16x128xi32, #tpu.memory_space<hbm>>
        %dma_start3A_372 = tpu.memref_squeeze %dma_start3A_371 : memref<1x16x128xi32, #tpu.memory_space<hbm>> -> memref<16x128xi32, #tpu.memory_space<hbm>>
        %dma_start3A_373 = arith.constant 0 : i32
        %dma_start3A_374 = tpu.memref_slice %arg3[%dma_start3A_369, %mul3A_227, %dma_start3A_373] : memref<2x12500x128xi32, #tpu.memory_space<hbm>> -> memref<1x16x128xi32, #tpu.memory_space<hbm>>
        %dma_start3A_375 = tpu.memref_squeeze %dma_start3A_374 : memref<1x16x128xi32, #tpu.memory_space<hbm>> -> memref<16x128xi32, #tpu.memory_space<hbm>>
        tpu.enqueue_dma source(%dma_start3A_375 : memref<16x128xi32, #tpu.memory_space<hbm>>) target(%arg14 : memref<16x128xi32, #tpu.memory_space<vmem>>) target_semaphore(%arg29 : memref<!tpu.dma_semaphore, #tpu.memory_space<semaphore_mem>>)
      } else {
      }
      %ge3A_240 = arith.constant 30 : i32
      %ge3A_241 = arith.cmpi sge, %add3A, %ge3A_240 : i32
      %convert_element_type3A_242 = arith.extui %ge3A_241 : i1 to i32
      %cond3A_243 = arith.constant 0 : i32
      %cond3A_244 = arith.cmpi ne, %convert_element_type3A_242, %cond3A_243 : i32
      scf.if %cond3A_244 {
        %dma_start3A_369 = arith.constant 0 : i32
        %dma_start3A_370 = tpu.memref_slice %arg6[%mul3A_234, %dma_start3A_369] : memref<832x128xi32, #tpu.memory_space<hbm>> -> memref<16x128xi32, #tpu.memory_space<hbm>>
        %dma_start3A_371 = arith.constant 0 : i32
        %dma_start3A_372 = tpu.memref_slice %arg6[%mul3A_234, %dma_start3A_371] : memref<832x128xi32, #tpu.memory_space<hbm>> -> memref<16x128xi32, #tpu.memory_space<hbm>>
        tpu.enqueue_dma source(%dma_start3A_372 : memref<16x128xi32, #tpu.memory_space<hbm>>) target(%arg14 : memref<16x128xi32, #tpu.memory_space<vmem>>) target_semaphore(%arg29 : memref<!tpu.dma_semaphore, #tpu.memory_space<semaphore_mem>>)
      } else {
      }
      %mul3A_245 = arith.constant 26 : i32
      %mul3A_246 = arith.muli %add3A, %mul3A_245 : i32
      %add3A_247 = arith.addi %mul3A_246, %min3A_176 : i32
      %mul3A_248 = arith.constant 16 : i32
      %mul3A_249 = arith.muli %add3A_247, %mul3A_248 : i32
      %sub3A_250 = arith.constant 30 : i32
      %sub3A_251 = arith.subi %add3A, %sub3A_250 : i32
      %mul3A_252 = arith.constant 26 : i32
      %mul3A_253 = arith.muli %sub3A_251, %mul3A_252 : i32
      %add3A_254 = arith.addi %mul3A_253, %min3A_176 : i32
      %mul3A_255 = arith.constant 16 : i32
      %mul3A_256 = arith.muli %add3A_254, %mul3A_255 : i32
      %lt3A_257 = arith.constant 30 : i32
      %lt3A_258 = arith.cmpi slt, %add3A, %lt3A_257 : i32
      %convert_element_type3A_259 = arith.extui %lt3A_258 : i1 to i32
      %cond3A_260 = arith.constant 0 : i32
      %cond3A_261 = arith.cmpi ne, %convert_element_type3A_259, %cond3A_260 : i32
      scf.if %cond3A_261 {
        %dma_start3A_369 = arith.constant 0 : i32
        %dma_start3A_370 = arith.constant 0 : i32
        %dma_start3A_371 = tpu.memref_slice %arg3[%dma_start3A_369, %mul3A_249, %dma_start3A_370] : memref<2x12500x128xi32, #tpu.memory_space<hbm>> -> memref<1x16x128xi32, #tpu.memory_space<hbm>>
        %dma_start3A_372 = tpu.memref_squeeze %dma_start3A_371 : memref<1x16x128xi32, #tpu.memory_space<hbm>> -> memref<16x128xi32, #tpu.memory_space<hbm>>
        %dma_start3A_373 = arith.constant 0 : i32
        %dma_start3A_374 = tpu.memref_slice %arg3[%dma_start3A_369, %mul3A_249, %dma_start3A_373] : memref<2x12500x128xi32, #tpu.memory_space<hbm>> -> memref<1x16x128xi32, #tpu.memory_space<hbm>>
        %dma_start3A_375 = tpu.memref_squeeze %dma_start3A_374 : memref<1x16x128xi32, #tpu.memory_space<hbm>> -> memref<16x128xi32, #tpu.memory_space<hbm>>
        tpu.enqueue_dma source(%dma_start3A_375 : memref<16x128xi32, #tpu.memory_space<hbm>>) target(%arg11 : memref<16x128xi32, #tpu.memory_space<vmem>>) target_semaphore(%arg26 : memref<!tpu.dma_semaphore, #tpu.memory_space<semaphore_mem>>)
        %mul3A_376 = arith.constant 128 : i32
        %mul3A_377 = arith.muli %mul3A_249, %mul3A_376 : i32
        %dma_start3A_378 = tpu.memref_slice %arg4[%mul3A_377] : memref<1600000xf32, #tpu.memory_space<hbm>> -> memref<2048xf32, #tpu.memory_space<hbm>>
        %dma_start3A_379 = tpu.memref_slice %arg4[%mul3A_377] : memref<1600000xf32, #tpu.memory_space<hbm>> -> memref<2048xf32, #tpu.memory_space<hbm>>
        tpu.enqueue_dma source(%dma_start3A_379 : memref<2048xf32, #tpu.memory_space<hbm>>) target(%arg15 : memref<2048xf32, #tpu.memory_space<vmem>>) target_semaphore(%arg26 : memref<!tpu.dma_semaphore, #tpu.memory_space<semaphore_mem>>)
      } else {
      }
      %ge3A_262 = arith.constant 30 : i32
      %ge3A_263 = arith.cmpi sge, %add3A, %ge3A_262 : i32
      %convert_element_type3A_264 = arith.extui %ge3A_263 : i1 to i32
      %cond3A_265 = arith.constant 0 : i32
      %cond3A_266 = arith.cmpi ne, %convert_element_type3A_264, %cond3A_265 : i32
      scf.if %cond3A_266 {
        %dma_start3A_369 = arith.constant 0 : i32
        %dma_start3A_370 = tpu.memref_slice %arg5[%mul3A_256, %dma_start3A_369] : memref<832x128xi32, #tpu.memory_space<hbm>> -> memref<16x128xi32, #tpu.memory_space<hbm>>
        %dma_start3A_371 = arith.constant 0 : i32
        %dma_start3A_372 = tpu.memref_slice %arg5[%mul3A_256, %dma_start3A_371] : memref<832x128xi32, #tpu.memory_space<hbm>> -> memref<16x128xi32, #tpu.memory_space<hbm>>
        tpu.enqueue_dma source(%dma_start3A_372 : memref<16x128xi32, #tpu.memory_space<hbm>>) target(%arg11 : memref<16x128xi32, #tpu.memory_space<vmem>>) target_semaphore(%arg26 : memref<!tpu.dma_semaphore, #tpu.memory_space<semaphore_mem>>)
        %mul3A_373 = arith.constant 128 : i32
        %mul3A_374 = arith.muli %mul3A_256, %mul3A_373 : i32
        %dma_start3A_375 = tpu.memref_slice %arg7[%mul3A_374] : memref<106496xf32, #tpu.memory_space<hbm>> -> memref<2048xf32, #tpu.memory_space<hbm>>
        %dma_start3A_376 = tpu.memref_slice %arg7[%mul3A_374] : memref<106496xf32, #tpu.memory_space<hbm>> -> memref<2048xf32, #tpu.memory_space<hbm>>
        tpu.enqueue_dma source(%dma_start3A_376 : memref<2048xf32, #tpu.memory_space<hbm>>) target(%arg15 : memref<2048xf32, #tpu.memory_space<vmem>>) target_semaphore(%arg26 : memref<!tpu.dma_semaphore, #tpu.memory_space<semaphore_mem>>)
      } else {
      }
      %mul3A_267 = arith.constant 2 : i32
      %mul3A_268 = arith.muli %scan3A_167, %mul3A_267 : i32
      %add3A_269 = arith.constant 1 : i32
      %add3A_270 = arith.addi %mul3A_268, %add3A_269 : i32
      %add3A_271 = arith.constant 1 : i32
      %add3A_272 = arith.addi %add3A_270, %add3A_271 : i32
      %min3A_273 = arith.constant 25 : i32
      %min3A_274 = arith.minsi %add3A_272, %min3A_273 : i32
      %add3A_275 = arith.constant 2 : i32
      %add3A_276 = arith.addi %add3A_270, %add3A_275 : i32
      %min3A_277 = arith.constant 25 : i32
      %min3A_278 = arith.minsi %add3A_276, %min3A_277 : i32
      %dma_wait3A_279 = arith.constant 0 : i32
      %dma_wait3A_280 = arith.constant 0 : i32
      %dma_wait3A_281 = tpu.memref_slice %arg5[%dma_wait3A_279, %dma_wait3A_280] : memref<832x128xi32, #tpu.memory_space<hbm>> -> memref<16x128xi32, #tpu.memory_space<hbm>>
      %dma_wait3A_282 = arith.constant 0 : i32
      %dma_wait3A_283 = arith.constant 0 : i32
      %dma_wait3A_284 = tpu.memref_slice %arg5[%dma_wait3A_282, %dma_wait3A_283] : memref<832x128xi32, #tpu.memory_space<hbm>> -> memref<16x128xi32, #tpu.memory_space<hbm>>
      tpu.wait_dma2 semaphore(%arg26 : memref<!tpu.dma_semaphore, #tpu.memory_space<semaphore_mem>>) src(%dma_wait3A_284 : memref<16x128xi32, #tpu.memory_space<hbm>>) dst(%arg11 : memref<16x128xi32, #tpu.memory_space<vmem>>)
      %dma_wait3A_285 = arith.constant 0 : i32
      %dma_wait3A_286 = tpu.memref_slice %arg7[%dma_wait3A_285] : memref<106496xf32, #tpu.memory_space<hbm>> -> memref<2048xf32, #tpu.memory_space<hbm>>
      %dma_wait3A_287 = arith.constant 0 : i32
      %dma_wait3A_288 = tpu.memref_slice %arg7[%dma_wait3A_287] : memref<106496xf32, #tpu.memory_space<hbm>> -> memref<2048xf32, #tpu.memory_space<hbm>>
      tpu.wait_dma2 semaphore(%arg26 : memref<!tpu.dma_semaphore, #tpu.memory_space<semaphore_mem>>) src(%dma_wait3A_288 : memref<2048xf32, #tpu.memory_space<hbm>>) dst(%arg15 : memref<2048xf32, #tpu.memory_space<vmem>>)
      %scan3A_289 = arith.constant 0 : i32
      %scan3A_290 = arith.constant 0 : i32
      %scan3A_291 = arith.constant 16 : i32
      %scan3A_292 = arith.addi %scan3A_290, %scan3A_291 : i32
      %scan3A_293 = arith.constant 1 : i32
      scf.for %scan3A_369 = %scan3A_290 to %scan3A_292 step %scan3A_293  : i32 {
        %mul3A_370 = arith.constant 128 : i32
        %mul3A_371 = arith.muli %scan3A_369, %mul3A_370 : i32
        %dma_start3A_372 = arith.constant 0 : i32
        %dma_start3A_373 = tpu.memref_slice %arg17[%mul3A_371, %dma_start3A_372] : memref<2048x8xf32, #tpu.memory_space<vmem>> -> memref<128x8xf32, #tpu.memory_space<vmem>>
        %dma_start3A_374 = arith.constant 0 : i32
        %dma_start3A_375 = tpu.memref_slice %arg11[%scan3A_369, %dma_start3A_374] : memref<16x128xi32, #tpu.memory_space<vmem>> -> memref<1x128xi32, #tpu.memory_space<vmem>>
        %dma_start3A_376 = tpu.memref_squeeze %dma_start3A_375 : memref<1x128xi32, #tpu.memory_space<vmem>> -> memref<128xi32, #tpu.memory_space<vmem>>
        %dma_start3A_377 = arith.constant 0 : i32
        %dma_start3A_378 = arith.constant 0 : i32
        %dma_start3A_379 = tpu.memref_slice %arg2[%dma_start3A_377, %dma_start3A_378] : memref<100000x8xf32, #tpu.memory_space<hbm>> -> memref<100000x8xf32, #tpu.memory_space<hbm>>
        tpu.enqueue_indirect_dma source(%dma_start3A_379 : memref<100000x8xf32, #tpu.memory_space<hbm>>) target(%dma_start3A_373 : memref<128x8xf32, #tpu.memory_space<vmem>>) offsets(%dma_start3A_376 : memref<128xi32, #tpu.memory_space<vmem>>) semaphore(%arg22 : memref<!tpu.dma_semaphore, #tpu.memory_space<semaphore_mem>>)
      }
      %scan3A_294 = arith.constant 16 : i32
      %dma_wait3A_295 = arith.constant 0 : i32
      %dma_wait3A_296 = arith.constant 0 : i32
      %dma_wait3A_297 = tpu.memref_slice %arg8[%dma_wait3A_295, %dma_wait3A_296] : memref<100352x8xf32, #tpu.memory_space<hbm>> -> memref<2048x8xf32, #tpu.memory_space<hbm>>
      %dma_wait3A_298 = arith.constant 0 : i32
      %dma_wait3A_299 = arith.constant 0 : i32
      %dma_wait3A_300 = tpu.memref_slice %arg8[%dma_wait3A_298, %dma_wait3A_299] : memref<100352x8xf32, #tpu.memory_space<hbm>> -> memref<2048x8xf32, #tpu.memory_space<hbm>>
      tpu.wait_dma2 semaphore(%arg23 : memref<!tpu.dma_semaphore, #tpu.memory_space<semaphore_mem>>) src(%dma_wait3A_300 : memref<2048x8xf32, #tpu.memory_space<hbm>>) dst(%arg18 : memref<2048x8xf32, #tpu.memory_space<vmem>>)
      %scan3A_301 = arith.constant 0 : i32
      %scan3A_302 = arith.constant 0 : i32
      %scan3A_303 = arith.constant 128 : i32
      %scan3A_304 = arith.addi %scan3A_302, %scan3A_303 : i32
      %scan3A_305 = arith.constant 1 : i32
      scf.for %scan3A_369 = %scan3A_302 to %scan3A_304 step %scan3A_305  : i32 {
        %mul3A_370 = arith.constant 16 : i32
        %mul3A_371 = arith.muli %scan3A_369, %mul3A_370 : i32
        %add3A_372 = arith.constant 0 : i32
        %add3A_373 = arith.addi %mul3A_371, %add3A_372 : i32
        %add3A_374 = vector.broadcast %add3A_373 : i32 to vector<16xi32>
        %add3A_375 = arith.addi %shift_right_logical3A_4, %add3A_374 : vector<16xi32>
        %gather3A = tpu.vector_load_idx %arg18[%add3A_375, %and3A_6] : memref<2048x8xf32, #tpu.memory_space<vmem>>[vector<16xi32>, vector<16xi32>], vector<16xf32>,
        %gather3A_376 = tpu.vector_load_idx %arg16[%add3A_375] : memref<2048xf32, #tpu.memory_space<vmem>>[vector<16xi32>], vector<16xf32>,
        %mul3A_377 = arith.mulf %gather3A, %gather3A_376 : vector<16xf32>
        tpu.vector_store_idx %arg20[%add3A_375, %and3A_6], %mul3A_377 : memref<2048x8xf32, #tpu.memory_space<vmem>>[vector<16xi32>, vector<16xi32>], vector<16xf32>,
        %add3A_378 = arith.constant 2 : i32
        %add3A_379 = arith.addi %mul3A_371, %add3A_378 : i32
        %add3A_380 = vector.broadcast %add3A_379 : i32 to vector<16xi32>
        %add3A_381 = arith.addi %shift_right_logical3A_4, %add3A_380 : vector<16xi32>
        %gather3A_382 = tpu.vector_load_idx %arg18[%add3A_381, %and3A_6] : memref<2048x8xf32, #tpu.memory_space<vmem>>[vector<16xi32>, vector<16xi32>], vector<16xf32>,
        %gather3A_383 = tpu.vector_load_idx %arg16[%add3A_381] : memref<2048xf32, #tpu.memory_space<vmem>>[vector<16xi32>], vector<16xf32>,
        %mul3A_384 = arith.mulf %gather3A_382, %gather3A_383 : vector<16xf32>
        tpu.vector_store_idx %arg20[%add3A_381, %and3A_6], %mul3A_384 : memref<2048x8xf32, #tpu.memory_space<vmem>>[vector<16xi32>, vector<16xi32>], vector<16xf32>,
        %add3A_385 = arith.constant 4 : i32
        %add3A_386 = arith.addi %mul3A_371, %add3A_385 : i32
        %add3A_387 = vector.broadcast %add3A_386 : i32 to vector<16xi32>
        %add3A_388 = arith.addi %shift_right_logical3A_4, %add3A_387 : vector<16xi32>
        %gather3A_389 = tpu.vector_load_idx %arg18[%add3A_388, %and3A_6] : memref<2048x8xf32, #tpu.memory_space<vmem>>[vector<16xi32>, vector<16xi32>], vector<16xf32>,
        %gather3A_390 = tpu.vector_load_idx %arg16[%add3A_388] : memref<2048xf32, #tpu.memory_space<vmem>>[vector<16xi32>], vector<16xf32>,
        %mul3A_391 = arith.mulf %gather3A_389, %gather3A_390 : vector<16xf32>
        tpu.vector_store_idx %arg20[%add3A_388, %and3A_6], %mul3A_391 : memref<2048x8xf32, #tpu.memory_space<vmem>>[vector<16xi32>, vector<16xi32>], vector<16xf32>,
        %add3A_392 = arith.constant 6 : i32
        %add3A_393 = arith.addi %mul3A_371, %add3A_392 : i32
        %add3A_394 = vector.broadcast %add3A_393 : i32 to vector<16xi32>
        %add3A_395 = arith.addi %shift_right_logical3A_4, %add3A_394 : vector<16xi32>
        %gather3A_396 = tpu.vector_load_idx %arg18[%add3A_395, %and3A_6] : memref<2048x8xf32, #tpu.memory_space<vmem>>[vector<16xi32>, vector<16xi32>], vector<16xf32>,
        %gather3A_397 = tpu.vector_load_idx %arg16[%add3A_395] : memref<2048xf32, #tpu.memory_space<vmem>>[vector<16xi32>], vector<16xf32>,
        %mul3A_398 = arith.mulf %gather3A_396, %gather3A_397 : vector<16xf32>
        tpu.vector_store_idx %arg20[%add3A_395, %and3A_6], %mul3A_398 : memref<2048x8xf32, #tpu.memory_space<vmem>>[vector<16xi32>, vector<16xi32>], vector<16xf32>,
        %add3A_399 = arith.constant 8 : i32
        %add3A_400 = arith.addi %mul3A_371, %add3A_399 : i32
        %add3A_401 = vector.broadcast %add3A_400 : i32 to vector<16xi32>
        %add3A_402 = arith.addi %shift_right_logical3A_4, %add3A_401 : vector<16xi32>
        %gather3A_403 = tpu.vector_load_idx %arg18[%add3A_402, %and3A_6] : memref<2048x8xf32, #tpu.memory_space<vmem>>[vector<16xi32>, vector<16xi32>], vector<16xf32>,
        %gather3A_404 = tpu.vector_load_idx %arg16[%add3A_402] : memref<2048xf32, #tpu.memory_space<vmem>>[vector<16xi32>], vector<16xf32>,
        %mul3A_405 = arith.mulf %gather3A_403, %gather3A_404 : vector<16xf32>
        tpu.vector_store_idx %arg20[%add3A_402, %and3A_6], %mul3A_405 : memref<2048x8xf32, #tpu.memory_space<vmem>>[vector<16xi32>, vector<16xi32>], vector<16xf32>,
        %add3A_406 = arith.constant 10 : i32
        %add3A_407 = arith.addi %mul3A_371, %add3A_406 : i32
        %add3A_408 = vector.broadcast %add3A_407 : i32 to vector<16xi32>
        %add3A_409 = arith.addi %shift_right_logical3A_4, %add3A_408 : vector<16xi32>
        %gather3A_410 = tpu.vector_load_idx %arg18[%add3A_409, %and3A_6] : memref<2048x8xf32, #tpu.memory_space<vmem>>[vector<16xi32>, vector<16xi32>], vector<16xf32>,
        %gather3A_411 = tpu.vector_load_idx %arg16[%add3A_409] : memref<2048xf32, #tpu.memory_space<vmem>>[vector<16xi32>], vector<16xf32>,
        %mul3A_412 = arith.mulf %gather3A_410, %gather3A_411 : vector<16xf32>
        tpu.vector_store_idx %arg20[%add3A_409, %and3A_6], %mul3A_412 : memref<2048x8xf32, #tpu.memory_space<vmem>>[vector<16xi32>, vector<16xi32>], vector<16xf32>,
        %add3A_413 = arith.constant 12 : i32
        %add3A_414 = arith.addi %mul3A_371, %add3A_413 : i32
        %add3A_415 = vector.broadcast %add3A_414 : i32 to vector<16xi32>
        %add3A_416 = arith.addi %shift_right_logical3A_4, %add3A_415 : vector<16xi32>
        %gather3A_417 = tpu.vector_load_idx %arg18[%add3A_416, %and3A_6] : memref<2048x8xf32, #tpu.memory_space<vmem>>[vector<16xi32>, vector<16xi32>], vector<16xf32>,
        %gather3A_418 = tpu.vector_load_idx %arg16[%add3A_416] : memref<2048xf32, #tpu.memory_space<vmem>>[vector<16xi32>], vector<16xf32>,
        %mul3A_419 = arith.mulf %gather3A_417, %gather3A_418 : vector<16xf32>
        tpu.vector_store_idx %arg20[%add3A_416, %and3A_6], %mul3A_419 : memref<2048x8xf32, #tpu.memory_space<vmem>>[vector<16xi32>, vector<16xi32>], vector<16xf32>,
        %add3A_420 = arith.constant 14 : i32
        %add3A_421 = arith.addi %mul3A_371, %add3A_420 : i32
        %add3A_422 = vector.broadcast %add3A_421 : i32 to vector<16xi32>
        %add3A_423 = arith.addi %shift_right_logical3A_4, %add3A_422 : vector<16xi32>
        %gather3A_424 = tpu.vector_load_idx %arg18[%add3A_423, %and3A_6] : memref<2048x8xf32, #tpu.memory_space<vmem>>[vector<16xi32>, vector<16xi32>], vector<16xf32>,
        %gather3A_425 = tpu.vector_load_idx %arg16[%add3A_423] : memref<2048xf32, #tpu.memory_space<vmem>>[vector<16xi32>], vector<16xf32>,
        %mul3A_426 = arith.mulf %gather3A_424, %gather3A_425 : vector<16xf32>
        tpu.vector_store_idx %arg20[%add3A_423, %and3A_6], %mul3A_426 : memref<2048x8xf32, #tpu.memory_space<vmem>>[vector<16xi32>, vector<16xi32>], vector<16xf32>,
      }
      %scan3A_306 = arith.constant 128 : i32
      %dma_wait3A_307 = arith.constant 0 : i32
      %dma_wait3A_308 = arith.constant 0 : i32
      %dma_wait3A_309 = tpu.memref_slice %arg8[%dma_wait3A_307, %dma_wait3A_308] : memref<100352x8xf32, #tpu.memory_space<hbm>> -> memref<2048x8xf32, #tpu.memory_space<hbm>>
      %dma_wait3A_310 = arith.constant 0 : i32
      %dma_wait3A_311 = arith.constant 0 : i32
      %dma_wait3A_312 = tpu.memref_slice %arg8[%dma_wait3A_310, %dma_wait3A_311] : memref<100352x8xf32, #tpu.memory_space<hbm>> -> memref<2048x8xf32, #tpu.memory_space<hbm>>
      tpu.wait_dma2 semaphore(%arg24 : memref<!tpu.dma_semaphore, #tpu.memory_space<semaphore_mem>>) src(%dma_wait3A_312 : memref<2048x8xf32, #tpu.memory_space<hbm>>) dst(%arg19 : memref<2048x8xf32, #tpu.memory_space<vmem>>)
      %dma_wait3A_313 = arith.constant 0 : i32
      %dma_wait3A_314 = arith.constant 0 : i32
      %dma_wait3A_315 = tpu.memref_slice %arg6[%dma_wait3A_313, %dma_wait3A_314] : memref<832x128xi32, #tpu.memory_space<hbm>> -> memref<16x128xi32, #tpu.memory_space<hbm>>
      %dma_wait3A_316 = arith.constant 0 : i32
      %dma_wait3A_317 = arith.constant 0 : i32
      %dma_wait3A_318 = tpu.memref_slice %arg6[%dma_wait3A_316, %dma_wait3A_317] : memref<832x128xi32, #tpu.memory_space<hbm>> -> memref<16x128xi32, #tpu.memory_space<hbm>>
      tpu.wait_dma2 semaphore(%arg29 : memref<!tpu.dma_semaphore, #tpu.memory_space<semaphore_mem>>) src(%dma_wait3A_318 : memref<16x128xi32, #tpu.memory_space<hbm>>) dst(%arg14 : memref<16x128xi32, #tpu.memory_space<vmem>>)
      %scan3A_319 = arith.constant 0 : i32
      %scan3A_320 = arith.constant 0 : i32
      %scan3A_321 = arith.constant 16 : i32
      %scan3A_322 = arith.addi %scan3A_320, %scan3A_321 : i32
      %scan3A_323 = arith.constant 1 : i32
      scf.for %scan3A_369 = %scan3A_320 to %scan3A_322 step %scan3A_323  : i32 {
        %mul3A_370 = arith.constant 128 : i32
        %mul3A_371 = arith.muli %scan3A_369, %mul3A_370 : i32
        %dma_start3A_372 = arith.constant 0 : i32
        %dma_start3A_373 = tpu.memref_slice %arg20[%mul3A_371, %dma_start3A_372] : memref<2048x8xf32, #tpu.memory_space<vmem>> -> memref<128x8xf32, #tpu.memory_space<vmem>>
        %dma_start3A_374 = arith.constant 0 : i32
        %dma_start3A_375 = tpu.memref_slice %arg14[%scan3A_369, %dma_start3A_374] : memref<16x128xi32, #tpu.memory_space<vmem>> -> memref<1x128xi32, #tpu.memory_space<vmem>>
        %dma_start3A_376 = tpu.memref_squeeze %dma_start3A_375 : memref<1x128xi32, #tpu.memory_space<vmem>> -> memref<128xi32, #tpu.memory_space<vmem>>
        %dma_start3A_377 = arith.constant 0 : i32
        %dma_start3A_378 = arith.constant 0 : i32
        %dma_start3A_379 = tpu.memref_slice %arg21[%dma_start3A_377, %dma_start3A_378] : memref<100352x8xf32, #tpu.memory_space<vmem_shared>> -> memref<100352x8xf32, #tpu.memory_space<vmem_shared>>
        tpu.enqueue_indirect_dma source(%dma_start3A_373 : memref<128x8xf32, #tpu.memory_space<vmem>>) target(%dma_start3A_379 : memref<100352x8xf32, #tpu.memory_space<vmem_shared>>) offsets(%dma_start3A_376 : memref<128xi32, #tpu.memory_space<vmem>>) semaphore(%arg25 : memref<!tpu.dma_semaphore, #tpu.memory_space<semaphore_mem>>) {add = true}
      }
      %scan3A_324 = arith.constant 16 : i32
      %mul3A_325 = arith.constant 26 : i32
      %mul3A_326 = arith.muli %add3A, %mul3A_325 : i32
      %add3A_327 = arith.addi %mul3A_326, %min3A_274 : i32
      %mul3A_328 = arith.constant 16 : i32
      %mul3A_329 = arith.muli %add3A_327, %mul3A_328 : i32
      %sub3A_330 = arith.constant 30 : i32
      %sub3A_331 = arith.subi %add3A, %sub3A_330 : i32
      %mul3A_332 = arith.constant 26 : i32
      %mul3A_333 = arith.muli %sub3A_331, %mul3A_332 : i32
      %add3A_334 = arith.addi %mul3A_333, %min3A_274 : i32
      %mul3A_335 = arith.constant 16 : i32
      %mul3A_336 = arith.muli %add3A_334, %mul3A_335 : i32
      %lt3A_337 = arith.constant 30 : i32
      %lt3A_338 = arith.cmpi slt, %add3A, %lt3A_337 : i32
      %convert_element_type3A_339 = arith.extui %lt3A_338 : i1 to i32
      %cond3A_340 = arith.constant 0 : i32
      %cond3A_341 = arith.cmpi ne, %convert_element_type3A_339, %cond3A_340 : i32
      scf.if %cond3A_341 {
        %dma_start3A_369 = arith.constant 1 : i32
        %dma_start3A_370 = arith.constant 0 : i32
        %dma_start3A_371 = tpu.memref_slice %arg3[%dma_start3A_369, %mul3A_329, %dma_start3A_370] : memref<2x12500x128xi32, #tpu.memory_space<hbm>> -> memref<1x16x128xi32, #tpu.memory_space<hbm>>
        %dma_start3A_372 = tpu.memref_squeeze %dma_start3A_371 : memref<1x16x128xi32, #tpu.memory_space<hbm>> -> memref<16x128xi32, #tpu.memory_space<hbm>>
        %dma_start3A_373 = arith.constant 0 : i32
        %dma_start3A_374 = tpu.memref_slice %arg3[%dma_start3A_369, %mul3A_329, %dma_start3A_373] : memref<2x12500x128xi32, #tpu.memory_space<hbm>> -> memref<1x16x128xi32, #tpu.memory_space<hbm>>
        %dma_start3A_375 = tpu.memref_squeeze %dma_start3A_374 : memref<1x16x128xi32, #tpu.memory_space<hbm>> -> memref<16x128xi32, #tpu.memory_space<hbm>>
        tpu.enqueue_dma source(%dma_start3A_375 : memref<16x128xi32, #tpu.memory_space<hbm>>) target(%arg13 : memref<16x128xi32, #tpu.memory_space<vmem>>) target_semaphore(%arg28 : memref<!tpu.dma_semaphore, #tpu.memory_space<semaphore_mem>>)
      } else {
      }
      %ge3A_342 = arith.constant 30 : i32
      %ge3A_343 = arith.cmpi sge, %add3A, %ge3A_342 : i32
      %convert_element_type3A_344 = arith.extui %ge3A_343 : i1 to i32
      %cond3A_345 = arith.constant 0 : i32
      %cond3A_346 = arith.cmpi ne, %convert_element_type3A_344, %cond3A_345 : i32
      scf.if %cond3A_346 {
        %dma_start3A_369 = arith.constant 0 : i32
        %dma_start3A_370 = tpu.memref_slice %arg6[%mul3A_336, %dma_start3A_369] : memref<832x128xi32, #tpu.memory_space<hbm>> -> memref<16x128xi32, #tpu.memory_space<hbm>>
        %dma_start3A_371 = arith.constant 0 : i32
        %dma_start3A_372 = tpu.memref_slice %arg6[%mul3A_336, %dma_start3A_371] : memref<832x128xi32, #tpu.memory_space<hbm>> -> memref<16x128xi32, #tpu.memory_space<hbm>>
        tpu.enqueue_dma source(%dma_start3A_372 : memref<16x128xi32, #tpu.memory_space<hbm>>) target(%arg13 : memref<16x128xi32, #tpu.memory_space<vmem>>) target_semaphore(%arg28 : memref<!tpu.dma_semaphore, #tpu.memory_space<semaphore_mem>>)
      } else {
      }
      %mul3A_347 = arith.constant 26 : i32
      %mul3A_348 = arith.muli %add3A, %mul3A_347 : i32
      %add3A_349 = arith.addi %mul3A_348, %min3A_278 : i32
      %mul3A_350 = arith.constant 16 : i32
      %mul3A_351 = arith.muli %add3A_349, %mul3A_350 : i32
      %sub3A_352 = arith.constant 30 : i32
      %sub3A_353 = arith.subi %add3A, %sub3A_352 : i32
      %mul3A_354 = arith.constant 26 : i32
      %mul3A_355 = arith.muli %sub3A_353, %mul3A_354 : i32
      %add3A_356 = arith.addi %mul3A_355, %min3A_278 : i32
      %mul3A_357 = arith.constant 16 : i32
      %mul3A_358 = arith.muli %add3A_356, %mul3A_357 : i32
      %lt3A_359 = arith.constant 30 : i32
      %lt3A_360 = arith.cmpi slt, %add3A, %lt3A_359 : i32
      %convert_element_type3A_361 = arith.extui %lt3A_360 : i1 to i32
      %cond3A_362 = arith.constant 0 : i32
      %cond3A_363 = arith.cmpi ne, %convert_element_type3A_361, %cond3A_362 : i32
      scf.if %cond3A_363 {
        %dma_start3A_369 = arith.constant 0 : i32
        %dma_start3A_370 = arith.constant 0 : i32
        %dma_start3A_371 = tpu.memref_slice %arg3[%dma_start3A_369, %mul3A_351, %dma_start3A_370] : memref<2x12500x128xi32, #tpu.memory_space<hbm>> -> memref<1x16x128xi32, #tpu.memory_space<hbm>>
        %dma_start3A_372 = tpu.memref_squeeze %dma_start3A_371 : memref<1x16x128xi32, #tpu.memory_space<hbm>> -> memref<16x128xi32, #tpu.memory_space<hbm>>
        %dma_start3A_373 = arith.constant 0 : i32
        %dma_start3A_374 = tpu.memref_slice %arg3[%dma_start3A_369, %mul3A_351, %dma_start3A_373] : memref<2x12500x128xi32, #tpu.memory_space<hbm>> -> memref<1x16x128xi32, #tpu.memory_space<hbm>>
        %dma_start3A_375 = tpu.memref_squeeze %dma_start3A_374 : memref<1x16x128xi32, #tpu.memory_space<hbm>> -> memref<16x128xi32, #tpu.memory_space<hbm>>
        tpu.enqueue_dma source(%dma_start3A_375 : memref<16x128xi32, #tpu.memory_space<hbm>>) target(%arg12 : memref<16x128xi32, #tpu.memory_space<vmem>>) target_semaphore(%arg27 : memref<!tpu.dma_semaphore, #tpu.memory_space<semaphore_mem>>)
        %mul3A_376 = arith.constant 128 : i32
        %mul3A_377 = arith.muli %mul3A_351, %mul3A_376 : i32
        %dma_start3A_378 = tpu.memref_slice %arg4[%mul3A_377] : memref<1600000xf32, #tpu.memory_space<hbm>> -> memref<2048xf32, #tpu.memory_space<hbm>>
        %dma_start3A_379 = tpu.memref_slice %arg4[%mul3A_377] : memref<1600000xf32, #tpu.memory_space<hbm>> -> memref<2048xf32, #tpu.memory_space<hbm>>
        tpu.enqueue_dma source(%dma_start3A_379 : memref<2048xf32, #tpu.memory_space<hbm>>) target(%arg16 : memref<2048xf32, #tpu.memory_space<vmem>>) target_semaphore(%arg27 : memref<!tpu.dma_semaphore, #tpu.memory_space<semaphore_mem>>)
      } else {
      }
      %ge3A_364 = arith.constant 30 : i32
      %ge3A_365 = arith.cmpi sge, %add3A, %ge3A_364 : i32
      %convert_element_type3A_366 = arith.extui %ge3A_365 : i1 to i32
      %cond3A_367 = arith.constant 0 : i32
      %cond3A_368 = arith.cmpi ne, %convert_element_type3A_366, %cond3A_367 : i32
      scf.if %cond3A_368 {
        %dma_start3A_369 = arith.constant 0 : i32
        %dma_start3A_370 = tpu.memref_slice %arg5[%mul3A_358, %dma_start3A_369] : memref<832x128xi32, #tpu.memory_space<hbm>> -> memref<16x128xi32, #tpu.memory_space<hbm>>
        %dma_start3A_371 = arith.constant 0 : i32
        %dma_start3A_372 = tpu.memref_slice %arg5[%mul3A_358, %dma_start3A_371] : memref<832x128xi32, #tpu.memory_space<hbm>> -> memref<16x128xi32, #tpu.memory_space<hbm>>
        tpu.enqueue_dma source(%dma_start3A_372 : memref<16x128xi32, #tpu.memory_space<hbm>>) target(%arg12 : memref<16x128xi32, #tpu.memory_space<vmem>>) target_semaphore(%arg27 : memref<!tpu.dma_semaphore, #tpu.memory_space<semaphore_mem>>)
        %mul3A_373 = arith.constant 128 : i32
        %mul3A_374 = arith.muli %mul3A_358, %mul3A_373 : i32
        %dma_start3A_375 = tpu.memref_slice %arg7[%mul3A_374] : memref<106496xf32, #tpu.memory_space<hbm>> -> memref<2048xf32, #tpu.memory_space<hbm>>
        %dma_start3A_376 = tpu.memref_slice %arg7[%mul3A_374] : memref<106496xf32, #tpu.memory_space<hbm>> -> memref<2048xf32, #tpu.memory_space<hbm>>
        tpu.enqueue_dma source(%dma_start3A_376 : memref<2048xf32, #tpu.memory_space<hbm>>) target(%arg16 : memref<2048xf32, #tpu.memory_space<vmem>>) target_semaphore(%arg27 : memref<!tpu.dma_semaphore, #tpu.memory_space<semaphore_mem>>)
      } else {
      }
    }
    %scan3A_122 = arith.constant 13 : i32
    %dma_wait3A_123 = arith.constant 0 : i32
    %dma_wait3A_124 = arith.constant 0 : i32
    %dma_wait3A_125 = tpu.memref_slice %arg8[%dma_wait3A_123, %dma_wait3A_124] : memref<100352x8xf32, #tpu.memory_space<hbm>> -> memref<2048x8xf32, #tpu.memory_space<hbm>>
    %dma_wait3A_126 = arith.constant 0 : i32
    %dma_wait3A_127 = arith.constant 0 : i32
    %dma_wait3A_128 = tpu.memref_slice %arg8[%dma_wait3A_126, %dma_wait3A_127] : memref<100352x8xf32, #tpu.memory_space<hbm>> -> memref<2048x8xf32, #tpu.memory_space<hbm>>
    tpu.wait_dma2 semaphore(%arg22 : memref<!tpu.dma_semaphore, #tpu.memory_space<semaphore_mem>>) src(%dma_wait3A_128 : memref<2048x8xf32, #tpu.memory_space<hbm>>) dst(%arg17 : memref<2048x8xf32, #tpu.memory_space<vmem>>)
    %dma_wait3A_129 = arith.constant 0 : i32
    %dma_wait3A_130 = arith.constant 0 : i32
    %dma_wait3A_131 = tpu.memref_slice %arg8[%dma_wait3A_129, %dma_wait3A_130] : memref<100352x8xf32, #tpu.memory_space<hbm>> -> memref<2048x8xf32, #tpu.memory_space<hbm>>
    %dma_wait3A_132 = arith.constant 0 : i32
    %dma_wait3A_133 = arith.constant 0 : i32
    %dma_wait3A_134 = tpu.memref_slice %arg8[%dma_wait3A_132, %dma_wait3A_133] : memref<100352x8xf32, #tpu.memory_space<hbm>> -> memref<2048x8xf32, #tpu.memory_space<hbm>>
    tpu.wait_dma2 semaphore(%arg25 : memref<!tpu.dma_semaphore, #tpu.memory_space<semaphore_mem>>) src(%dma_wait3A_134 : memref<2048x8xf32, #tpu.memory_space<hbm>>) dst(%arg20 : memref<2048x8xf32, #tpu.memory_space<vmem>>)
    %dma_wait3A_135 = arith.constant 0 : i32
    %dma_wait3A_136 = arith.constant 0 : i32
    %dma_wait3A_137 = tpu.memref_slice %arg5[%dma_wait3A_135, %dma_wait3A_136] : memref<832x128xi32, #tpu.memory_space<hbm>> -> memref<16x128xi32, #tpu.memory_space<hbm>>
    %dma_wait3A_138 = arith.constant 0 : i32
    %dma_wait3A_139 = arith.constant 0 : i32
    %dma_wait3A_140 = tpu.memref_slice %arg5[%dma_wait3A_138, %dma_wait3A_139] : memref<832x128xi32, #tpu.memory_space<hbm>> -> memref<16x128xi32, #tpu.memory_space<hbm>>
    tpu.wait_dma2 semaphore(%arg27 : memref<!tpu.dma_semaphore, #tpu.memory_space<semaphore_mem>>) src(%dma_wait3A_140 : memref<16x128xi32, #tpu.memory_space<hbm>>) dst(%arg12 : memref<16x128xi32, #tpu.memory_space<vmem>>)
    %dma_wait3A_141 = arith.constant 0 : i32
    %dma_wait3A_142 = tpu.memref_slice %arg7[%dma_wait3A_141] : memref<106496xf32, #tpu.memory_space<hbm>> -> memref<2048xf32, #tpu.memory_space<hbm>>
    %dma_wait3A_143 = arith.constant 0 : i32
    %dma_wait3A_144 = tpu.memref_slice %arg7[%dma_wait3A_143] : memref<106496xf32, #tpu.memory_space<hbm>> -> memref<2048xf32, #tpu.memory_space<hbm>>
    tpu.wait_dma2 semaphore(%arg27 : memref<!tpu.dma_semaphore, #tpu.memory_space<semaphore_mem>>) src(%dma_wait3A_144 : memref<2048xf32, #tpu.memory_space<hbm>>) dst(%arg16 : memref<2048xf32, #tpu.memory_space<vmem>>)
    %dma_wait3A_145 = arith.constant 0 : i32
    %dma_wait3A_146 = arith.constant 0 : i32
    %dma_wait3A_147 = tpu.memref_slice %arg6[%dma_wait3A_145, %dma_wait3A_146] : memref<832x128xi32, #tpu.memory_space<hbm>> -> memref<16x128xi32, #tpu.memory_space<hbm>>
    %dma_wait3A_148 = arith.constant 0 : i32
    %dma_wait3A_149 = arith.constant 0 : i32
    %dma_wait3A_150 = tpu.memref_slice %arg6[%dma_wait3A_148, %dma_wait3A_149] : memref<832x128xi32, #tpu.memory_space<hbm>> -> memref<16x128xi32, #tpu.memory_space<hbm>>
    tpu.wait_dma2 semaphore(%arg28 : memref<!tpu.dma_semaphore, #tpu.memory_space<semaphore_mem>>) src(%dma_wait3A_150 : memref<16x128xi32, #tpu.memory_space<hbm>>) dst(%arg13 : memref<16x128xi32, #tpu.memory_space<vmem>>)
    %dma_wait3A_151 = arith.constant 0 : i32
    %dma_wait3A_152 = arith.constant 0 : i32
    %dma_wait3A_153 = tpu.memref_slice %arg6[%dma_wait3A_151, %dma_wait3A_152] : memref<832x128xi32, #tpu.memory_space<hbm>> -> memref<16x128xi32, #tpu.memory_space<hbm>>
    %dma_wait3A_154 = arith.constant 0 : i32
    %dma_wait3A_155 = arith.constant 0 : i32
    %dma_wait3A_156 = tpu.memref_slice %arg6[%dma_wait3A_154, %dma_wait3A_155] : memref<832x128xi32, #tpu.memory_space<hbm>> -> memref<16x128xi32, #tpu.memory_space<hbm>>
    tpu.wait_dma2 semaphore(%arg29 : memref<!tpu.dma_semaphore, #tpu.memory_space<semaphore_mem>>) src(%dma_wait3A_156 : memref<16x128xi32, #tpu.memory_space<hbm>>) dst(%arg14 : memref<16x128xi32, #tpu.memory_space<vmem>>)
    %barrier3A_157 = arith.constant 0 : index
    tpu.barrier barrier_id(%barrier3A_157)
    %eq3A = arith.constant 0 : i32
    %eq3A_158 = arith.cmpi eq, %arg0, %eq3A : i32
    %convert_element_type3A_159 = arith.extui %eq3A_158 : i1 to i32
    %cond3A_160 = arith.constant 0 : i32
    %cond3A_161 = arith.cmpi ne, %convert_element_type3A_159, %cond3A_160 : i32
    scf.if %cond3A_161 {
      "tpu.region"() ({
        %run_scoped3A = tpu.sem_alloc : memref<!tpu.dma_semaphore, #tpu.memory_space<semaphore_mem>>
        %dma_start3A_167 = arith.constant 0 : i32
        %dma_start3A_168 = tpu.memref_slice %arg9[%mul3A_2, %dma_start3A_167] : memref<100352x8xf32, #tpu.memory_space<hbm>> -> memref<6272x8xf32, #tpu.memory_space<hbm>>
        %dma_start3A_169 = arith.constant 0 : i32
        %dma_start3A_170 = tpu.memref_slice %arg21[%mul3A_2, %dma_start3A_169] : memref<100352x8xf32, #tpu.memory_space<vmem_shared>> -> memref<6272x8xf32, #tpu.memory_space<vmem_shared>>
        tpu.enqueue_dma source(%dma_start3A_170 : memref<6272x8xf32, #tpu.memory_space<vmem_shared>>) target(%dma_start3A_168 : memref<6272x8xf32, #tpu.memory_space<hbm>>) target_semaphore(%run_scoped3A : memref<!tpu.dma_semaphore, #tpu.memory_space<semaphore_mem>>)
        %dma_wait3A_171 = arith.constant 0 : i32
        %dma_wait3A_172 = tpu.memref_slice %arg9[%mul3A_2, %dma_wait3A_171] : memref<100352x8xf32, #tpu.memory_space<hbm>> -> memref<6272x8xf32, #tpu.memory_space<hbm>>
        %dma_wait3A_173 = arith.constant 0 : i32
        %dma_wait3A_174 = tpu.memref_slice %arg21[%mul3A_2, %dma_wait3A_173] : memref<100352x8xf32, #tpu.memory_space<vmem_shared>> -> memref<6272x8xf32, #tpu.memory_space<vmem_shared>>
        tpu.wait_dma2 semaphore(%run_scoped3A : memref<!tpu.dma_semaphore, #tpu.memory_space<semaphore_mem>>) src(%dma_wait3A_174 : memref<6272x8xf32, #tpu.memory_space<vmem_shared>>) dst(%dma_wait3A_172 : memref<6272x8xf32, #tpu.memory_space<hbm>>)
        tpu.yield
      }) : () -> ()
    } else {
    }
    %eq3A_162 = arith.constant 1 : i32
    %eq3A_163 = arith.cmpi eq, %arg0, %eq3A_162 : i32
    %convert_element_type3A_164 = arith.extui %eq3A_163 : i1 to i32
    %cond3A_165 = arith.constant 0 : i32
    %cond3A_166 = arith.cmpi ne, %convert_element_type3A_164, %cond3A_165 : i32
    scf.if %cond3A_166 {
      "tpu.region"() ({
        %run_scoped3A = tpu.sem_alloc : memref<!tpu.dma_semaphore, #tpu.memory_space<semaphore_mem>>
        %dma_start3A_167 = arith.constant 0 : i32
        %dma_start3A_168 = tpu.memref_slice %arg10[%mul3A_2, %dma_start3A_167] : memref<100352x8xf32, #tpu.memory_space<hbm>> -> memref<6272x8xf32, #tpu.memory_space<hbm>>
        %dma_start3A_169 = arith.constant 0 : i32
        %dma_start3A_170 = tpu.memref_slice %arg21[%mul3A_2, %dma_start3A_169] : memref<100352x8xf32, #tpu.memory_space<vmem_shared>> -> memref<6272x8xf32, #tpu.memory_space<vmem_shared>>
        tpu.enqueue_dma source(%dma_start3A_170 : memref<6272x8xf32, #tpu.memory_space<vmem_shared>>) target(%dma_start3A_168 : memref<6272x8xf32, #tpu.memory_space<hbm>>) target_semaphore(%run_scoped3A : memref<!tpu.dma_semaphore, #tpu.memory_space<semaphore_mem>>)
        %dma_wait3A_171 = arith.constant 0 : i32
        %dma_wait3A_172 = tpu.memref_slice %arg10[%mul3A_2, %dma_wait3A_171] : memref<100352x8xf32, #tpu.memory_space<hbm>> -> memref<6272x8xf32, #tpu.memory_space<hbm>>
        %dma_wait3A_173 = arith.constant 0 : i32
        %dma_wait3A_174 = tpu.memref_slice %arg21[%mul3A_2, %dma_wait3A_173] : memref<100352x8xf32, #tpu.memory_space<vmem_shared>> -> memref<6272x8xf32, #tpu.memory_space<vmem_shared>>
        tpu.wait_dma2 semaphore(%run_scoped3A : memref<!tpu.dma_semaphore, #tpu.memory_space<semaphore_mem>>) src(%dma_wait3A_174 : memref<6272x8xf32, #tpu.memory_space<vmem_shared>>) dst(%dma_wait3A_172 : memref<6272x8xf32, #tpu.memory_space<hbm>>)
        tpu.yield
      }) : () -> ()
    } else {
    }
    return
  }
}

module attributes {stable_mosaic.version = 14 : i64} {
  func.func @_combine_body(%arg0: i32, %arg1: memref<784x128xf32, #tpu.memory_space<vmem>>, %arg2: memref<784x128xf32, #tpu.memory_space<vmem>>, %arg3: memref<784x128xf32, #tpu.memory_space<vmem>>, %arg4: memref<784x128xf32, #tpu.memory_space<vmem>>) attributes {dimension_semantics = [#tpu.dimension_semantics<arbitrary>], iteration_bounds = array<i64: 8>, scalar_prefetch = 0 : i64, scratch_operands = 0 : i64, tpu.core_type = #tpu.core_type<tc>, window_params = [{transform_indices = @transform_0, window_bounds = array<i64: 784, 128>}, {transform_indices = @transform_1, window_bounds = array<i64: 784, 128>}, {transform_indices = @transform_2, window_bounds = array<i64: 784, 128>}, {transform_indices = @transform_3, window_bounds = array<i64: 784, 128>}]} {
    %get3A = arith.constant 0 : index
    %get3A_0 = arith.constant 0 : index
    %get3A_1 = vector.load %arg1[%get3A, %get3A_0] : memref<784x128xf32, #tpu.memory_space<vmem>>, vector<784x128xf32>
    %get3A_2 = arith.constant 0 : index
    %get3A_3 = arith.constant 0 : index
    %get3A_4 = vector.load %arg2[%get3A_2, %get3A_3] : memref<784x128xf32, #tpu.memory_space<vmem>>, vector<784x128xf32>
    %add3A = arith.addf %get3A_1, %get3A_4 : vector<784x128xf32>
    %get3A_5 = arith.constant 0 : index
    %get3A_6 = arith.constant 0 : index
    %get3A_7 = vector.load %arg3[%get3A_5, %get3A_6] : memref<784x128xf32, #tpu.memory_space<vmem>>, vector<784x128xf32>
    %add3A_8 = arith.addf %add3A, %get3A_7 : vector<784x128xf32>
    %swap3A = arith.constant 0 : index
    %swap3A_9 = arith.constant 0 : index
    %swap3A_10 = vector.load %arg4[%swap3A, %swap3A_9] : memref<784x128xf32, #tpu.memory_space<vmem>>, vector<784x128xf32>
    tpu.vector_store %arg4[%swap3A, %swap3A_9], %add3A_8 {strides = array<i32>} : memref<784x128xf32, #tpu.memory_space<vmem>>, vector<784x128xf32>,
    return
  }
  func.func @transform_0(%arg0: i32) -> (i32, i32) {
    %c0_i32 = arith.constant 0 : i32
    %c0_i32_0 = arith.constant 0 : i32
    return %arg0, %c0_i32 : i32, i32
  }
  func.func @transform_1(%arg0: i32) -> (i32, i32) {
    %c0_i32 = arith.constant 0 : i32
    %c0_i32_0 = arith.constant 0 : i32
    return %arg0, %c0_i32 : i32, i32
  }
  func.func @transform_2(%arg0: i32) -> (i32, i32) {
    %c0_i32 = arith.constant 0 : i32
    %c0_i32_0 = arith.constant 0 : i32
    return %arg0, %c0_i32 : i32, i32
  }
  func.func @transform_3(%arg0: i32) -> (i32, i32) {
    %c0_i32 = arith.constant 0 : i32
    %c0_i32_0 = arith.constant 0 : i32
    return %arg0, %c0_i32 : i32, i32
  }
}

</mosaic_0001>

<sc_bundles>
// kernel: kernel.4.cloned.1.call-start
scs
__scs_entry_jumppad:
0x0: {  	(pc) =	sbr.rel $0x88, $3  }
0x1: {  	(tag) =	ssettag $0x0;
	lr =	simm.s32 $0x1  }
0x2: {  	[smem:$0x3F9D] =	sst lr;
	_ =	strace $0xD0000000  }
0x3: {  	_ = 	snop  }
0x4: {  	_ = 	snop  }
0x5: {  	_ = 	snop  }
0x6: {  	_ = 	snop  }
0x7: {  	_ = 	snop  }
__scs_overlays_trampoline_lowered:
0x8: {  	[smem:$0x3FAC] =	sst s0  }
0x9: {  	[smem:$0x3FAD] =	sst s1  }
0xa: {  	[smem:$0x3FAE] =	sst s2  }
0xb: {  	[smem:$0x3FAF] =	sst s3  }
0xc: {  	[smem:$0x3FB0] =	sst s4  }
0xd: {  	[smem:$0x3FB1] =	sst s5  }
0xe: {  	[smem:$0x3FB2] =	sst s6  }
0xf: {  	[smem:$0x3FB3] =	sst s7  }
0x10: {  	[smem:$0x3FB4] =	sst s8  }
0x11: {  	[smem:$0x3FB5] =	sst s9;
	s0 =	simm.s32 @!p0 $0x0  }
0x12: {  	s1 =	sld [smem:$0x3F9B];
	s0 =	simm.s32 @p0 $0x1  }
0x13: {  	[smem:$0x3FB6] =	sst s0;
	s0 =	simm.s32 @!p1 $0x0  }
0x14: {  	s2 =	sld [smem:$0x3F9A];
	s0 =	simm.s32 @p1 $0x1  }
0x15: {  	[smem:$0x3FB7] =	sst s0;
	s0 =	simm.s32 @!p2 $0x0  }
0x16: {  	s3 =	sld [smem:$0x3FDB];
	s0 =	simm.s32 @p2 $0x1  }
0x17: {  	s4 =	simm.s32 $0x1BF5;
	[smem:$0x3FB9] =	sst s0  }
0x18: {  	s0 =	sld [smem:$0x3F9C];
	_ =	swait.ge [sflag:s4], $0x0  }
0x19: {  	s7 =	sld [smem:$0x3F9D]  }
0x1a: {  	s8 =	sadd.s32 $0xFFFFE003, lr  }
0x1b: {  	s9 =	sadd.s32 $0xFFFFFEF7, lr;
	s5 =	simm.s32 $0xFFFFFFFF;
	p2 =	slt.u32 s8, $0xFFFFF086  }
0x1c: {  	p1 =	slt.u32 s9, $0xF7A;
	s5 =	simm.s32 @!p2 $0x0  }
0x1d: {  	s5 =	simm.s32 @p1 $0x1;
	p0 =	seq.s32 s7, s2  }
0x1e: {  	s7 =	smul.u32 @!p0 $0xF7A, s2;
	p2 =	seq.s32 @!p0 s5, $0x0  }
0x1f: {  	s9 =	smul.u32 $0xF7A, s1;
	s8 =	simm.s32 @!p0 $0x1BF5;
	p2 =	por !p2, p0  }
0x20: {  	[sflag:s8] =	ssyncset.s32 @!p0 $0xFFFFF086;
	s6 =	sadd.s32 @!p0 s3, s7;
	s7 =	simm.s32 @!p0 $0x108  }
0x21: {  	s3 =	sadd.s32 s3, s9;
	s6 =	sadd.s32 @!p0 $0x88, s6;
	s7 =	simm.s32 @p2 $0x1082  }
0x22: {  	[simem:s7], [sflag:s8] =	dma.local @!p0 [hbm:s6], $0xF7A  }
0x23: {  	s9 =	sor.u32 $0xD0000000, s2;
	s6 =	simm.s32 $0x108;
	_ =	swait.ge @!p0 [sflag:s8], $0x0  }
0x24: {  	s3 =	sadd.s32 $0x88, s3;
	s6 =	simm.s32 @!p1 $0x1082;
	[sflag:s4] =	ssyncset.s32 $0xFFFFF086  }
0x25: {  	[simem:s6], [sflag:s4] =	dma.local [hbm:s3], $0xF7A  }
0x26: {  	[smem:$0x3F9D] =	sst s1;
	(tag) =	ssettag s2;
	_ =	strace s9  }
0x27: {  	s1 =	sld [smem:$0x3FAD]  }
0x28: {  	s2 =	sld [smem:$0x3FAE]  }
0x29: {  	s4 =	sld [smem:$0x3FB0]  }
0x2a: {  	p0 =	seq.s32 s5, $0x0;
	s5 =	sld [smem:$0x3FB1]  }
0x2b: {  	s6 =	sld [smem:$0x3FB2]  }
0x2c: {  	s7 =	sld [smem:$0x3FB3]  }
0x2d: {  	s3 =	simm.s32 $0x108;
	s8 =	sld [smem:$0x3FB4]  }
0x2e: {  	s3 =	simm.s32 @!p0 $0x1082;
	s9 =	sld [smem:$0x3FB5]  }
0x2f: {  	lr =	sadd.s32 s0, s3;
	s0 =	sld [smem:$0x3FAC]  }
0x30: {  	s3 =	sld [smem:$0x3FAF]  }
0x31: {  	[smem:$0x3FB8] =	sst s10  }
0x32: {  	s10 =	sld [smem:$0x3FB6];
	_ =	sdelay $0x3  }
0x33: {  	p0 =	seq.s32 s10, $0x1;
	s10 =	sld [smem:$0x3FB8];
	_ =	sdelay $0x3  }
0x34: {  	[smem:$0x3FB8] =	sst s10  }
0x35: {  	s10 =	sld [smem:$0x3FB7];
	_ =	sdelay $0x3  }
0x36: {  	p1 =	seq.s32 s10, $0x1;
	s10 =	sld [smem:$0x3FB8];
	_ =	sdelay $0x3  }
0x37: {  	[smem:$0x3FB8] =	sst s10  }
0x38: {  	s10 =	sld [smem:$0x3FB9]  }
0x39: {  	_ = 	snop;
	(pc) =	sbr.ind lr, $3  }
0x3a: {  	_ = 	snop  }
0x3b: {  	_ = 	snop  }
0x3c: {  	p2 =	seq.s32 s10, $0x1;
	s10 =	sld [smem:$0x3FB8]  }
0x3d: {  	_ =	shalt  }
0x3e: {  	_ =	shalt  }
0x3f: {  	_ =	shalt  }
0x40: {  	_ =	shalt  }
0x41: {  	_ =	shalt  }
0x42: {  	_ =	shalt  }
0x43: {  	_ =	shalt  }
0x44: {  	_ =	shalt  }
0x45: {  	_ =	shalt  }
0x46: {  	_ =	shalt  }
0x47: {  	_ =	shalt  }
0x48: {  	_ =	shalt  }
0x49: {  	_ =	shalt  }
0x4a: {  	_ =	shalt  }
0x4b: {  	_ =	shalt  }
0x4c: {  	_ =	shalt  }
0x4d: {  	_ =	shalt  }
0x4e: {  	_ =	shalt  }
0x4f: {  	_ =	shalt  }
0x50: {  	_ =	shalt  }
0x51: {  	_ =	shalt  }
0x52: {  	_ =	shalt  }
0x53: {  	_ =	shalt  }
0x54: {  	_ =	shalt  }
0x55: {  	_ =	shalt  }
0x56: {  	_ =	shalt  }
0x57: {  	_ =	shalt  }
0x58: {  	_ =	shalt  }
0x59: {  	_ =	shalt  }
0x5a: {  	_ =	shalt  }
0x5b: {  	_ =	shalt  }
0x5c: {  	_ =	shalt  }
0x5d: {  	_ =	shalt  }
0x5e: {  	_ =	shalt  }
0x5f: {  	_ =	shalt  }
0x60: {  	_ =	shalt  }
0x61: {  	_ =	shalt  }
0x62: {  	_ =	shalt  }
0x63: {  	_ =	shalt  }
0x64: {  	_ =	shalt  }
0x65: {  	_ =	shalt  }
0x66: {  	_ =	shalt  }
0x67: {  	_ =	shalt  }
0x68: {  	_ =	shalt  }
0x69: {  	_ =	shalt  }
0x6a: {  	_ =	shalt  }
0x6b: {  	_ =	shalt  }
0x6c: {  	_ =	shalt  }
0x6d: {  	_ =	shalt  }
0x6e: {  	_ =	shalt  }
0x6f: {  	_ =	shalt  }
0x70: {  	_ =	shalt  }
0x71: {  	_ =	shalt  }
0x72: {  	_ =	shalt  }
0x73: {  	_ =	shalt  }
0x74: {  	_ =	shalt  }
0x75: {  	_ =	shalt  }
0x76: {  	_ =	shalt  }
0x77: {  	_ =	shalt  }
0x78: {  	_ =	shalt  }
0x79: {  	_ =	shalt  }
0x7a: {  	_ =	shalt  }
0x7b: {  	_ =	shalt  }
0x7c: {  	_ =	shalt  }
0x7d: {  	_ =	shalt  }
0x7e: {  	_ =	shalt  }
0x7f: {  	_ =	shalt  }
0x80: {  	_ =	shalt  }
0x81: {  	_ =	shalt  }
0x82: {  	_ =	shalt  }
0x83: {  	_ =	shalt  }
0x84: {  	_ =	shalt  }
0x85: {  	_ =	shalt  }
0x86: {  	_ =	shalt  }
0x87: {  	_ =	shalt  }
.Lfunc_end0:
.L_simem_size_0:
called_computation_lowered:
.L_overlay_start_0:
0x88: {  	s2 =	sld [smem:$0x3FD9]  }
0x89: {  	s3 =	sld [smem:$0x3FFE];
	_ =	sdelay $0x1  }
0x8a: {  	s1 =	srdreg.scid  }
0x8b: {  	s0 =	sand.u32 $0x1, s1  }
0x8c: {  	s17 =	sshll.u32 s0, $0xA;
	s2 =	sadd.s32 s3, s2  }
0x8d: {  	s2 =	sadd.s32 s2, s17  }
0x8e: {  	[smem:$0x3FC4] =	sst s2  }
0x8f: {  	_ = 	snop  }
0x90: {  	s2 =	sld [smem:$0x3FC8]  }
0x91: {  	s18 =	sld [smem:$0x3FD0];
	(tm) =	ssettm $0x1  }
0x92: {  	s4 =	sld [smem:$0x3FFB];
	_ =	sdelay $0x3  }
0x93: {  	_ =	strace s4  }
0x94: {  	s4 =	sld [smem:$0x3FFC];
	_ =	sdelay $0x3  }
0x95: {  	_ =	strace s4  }
0x96: {  	s4 =	sld [smem:$0x3FFD];
	_ =	sdelay $0x3  }
0x97: {  	_ =	strace s4  }
0x98: {  	_ =	strace $0x8FFFFFFF  }
0x99: {  	s19 =	sld [smem:$0x3FDB];
	_ =	sdelay $0x1  }
0x9a: {  	s5 =	simm.s32 $_scs_section_size  }
0x9b: {  	s6 =	simm.s32 $_size__tile_overlayer_lowered;
	s7 =	simm.s32 $_tile_overlayer_lowered  }
0x9c: {  	s22 =	simm.s32 $0x1BFF;
	s21 =	sshll.u32 s7, $0x1;
	s4 =	sadd.s32 s5, s19  }
0x9d: {  	s8 =	simm.s32 $0x0;
	s20 =	sshll.u32 s6, $0x1;
	s6 =	sadd.s32 s21, s4  }
0x9e: {  	[timem:s8], [sflag:s22] =	dma.local [hbm:s6], s20  }
0x9f: {  	_ =	swait.ge [sflag:s22], s20  }
0xa0: {  	s5 =	ssub.s32 $0x0, s20;
	[sflag:s22] =	ssyncset.done $0x0  }
0xa1: {  	[sflag:s22] =	ssyncadd.s32 s5;
	_ =	sdelay $0x1  }
0xa2: {  	s23 =	simm.s32 $0x1B8B  }
0xa3: {  	_ =	swait.ge [sflag:s23], $0x1  }
0xa4: {  	[sflag:s23] =	ssyncset.done $0x0  }
0xa5: {  	s25 =	simm.s32 $0x1B8E;
	s24 =	sld [smem:$0x3FFE];
	[sflag:s23] =	ssyncadd.s32 $0xFFFFFFFF  }
0xa6: {  	s26 =	simm.s32 $execute0_lowered;
	[smem:$0x3FD2] =	sst s25  }
0xa7: {  	s6 =	sshll.u32 s26, $0x1;
	_ =	strace $0x80000046;
	[dreg:$0x1] =	wrdreg $0xFFFFFFFF  }
0xa8: {  	s28 =	simm.s32 $_size_execute0_lowered;
	s4 =	sadd.s32 s4, s6;
	[dreg:$0x0] =	wrdreg $0x0  }
0xa9: {  	s6 =	sshll.u32 s28, $0x1;
	[dreg:$0x2] =	wrdreg s4  }
0xaa: {  	[dreg:$0x3] =	wrdreg s6  }
0xab: {  	[dreg:$0x4] =	wrdreg $0xC0  }
0xac: {  	_ =	task [dreg:s8], $0x5FFFF  }
0xad: {  	[dreg:$0x1] =	wrdreg $0xFFFFFFFF  }
0xae: {  	[dreg:$0x0] =	wrdreg $0x60  }
0xaf: {  	[dreg:$0x2] =	wrdreg s18  }
0xb0: {  	[dreg:$0x3] =	wrdreg s24  }
0xb1: {  	[dreg:$0x4] =	wrdreg s2  }
0xb2: {  	[dreg:$0x5] =	wrdreg $0x130000  }
0xb3: {  	[dreg:$0x6] =	wrdreg $0x9  }
0xb4: {  	_ =	task.clear_ibuf [dreg:s8], $0x7FFFF;
	_ =	strace $0x90000046  }
0xb5: {  	s29 =	simm.s32 $0x9;
	_ =	strace $0x80000048  }
0xb6: {  	_ =	swait.ge [sflag:s29], $0x1  }
0xb7: {  	[sflag:s29] =	ssyncadd.s32 $0xFFFFFFFF  }
0xb8: {  	_ =	strace $0x90000048  }
0xb9: {  	_ =	sfence  }
0xba: {  	s30 =	sld [smem:$0x0];
	_ =	sdelay $0x2  }
0xbb: {  	s31 =	sshll.u32 s1, $0xD;
	s1 =	sshrl.u32 s1, $0x2  }
0xbc: {  	s3 =	sand.u32 $0x4000, s31;
	s1 =	sadd.s32 s1, s30  }
0xbd: {  	s0 =	sor.u32 s3, s0;
	s1 =	sshll.u32 s1, $0x11  }
0xbe: {  	s0 =	sor.u32 s1, s0  }
0xbf: {  	s0 =	sadd.s32 $0x8F2B, s0  }
0xc0: {  	[sflag:s0] =	ssyncadd.remote.s32 $0x1  }
0xc1: {  	_ =	sfence.sel $0xFFFF  }
0xc2: {  	[dreg:$0x0] =	wrdreg $0xFFFFFFFF;
	(pc) =	sbr.abs _section_cstart, $3  }
0xc3: {  	[dreg:$0x1] =	wrdreg $0xFFFFFFFF  }
0xc4: {  	_ =	task.clear_ibuf [dreg:s8], $0x2FFFF;
	_ =	strace $0x9FFFFFFF  }
0xc5: {  	(tm) =	ssettm $0x7FFFFFFF  }
tec
execute0_lowered:
.L_overlay_start_1:
0x0: {  	(tag) =	ssettag $0x1  }
0x1: {  	s1 =	rddreg [dreg:$0x0]  }
0x2: {  	s0 =	rddreg [dreg:$0x1]  }
0x3: {  	s4 =	rddreg [dreg:$0x2]  }
0x4: {  	s3 =	rddreg [dreg:$0x3]  }
0x5: {  	s2 =	simm.s32 $0x0;
	s21 =	srdreg.scid;
	s15 =	stileid.u32  }
0x6: {  	s30 =	simm.s32 $0x2800;
	s31 =	simm.s32 $0xF000;
	s29 =	simm.s32 $0xB000  }
0x7: {  	s28 =	simm.s32 $0x3;
	[smem:$0x7FF] =	sst s2;
	s6 =	sadd.s32 $0x800, s0  }
0x8: {  	s7 =	sadd.s32 $0x68C00, s0;
	s2 =	sand.u32 $0x1, s21;
	s8 =	sadd.s32 $0x65800, s0  }
0x9: {  	s11 =	smul.u32 $0xC400, s15;
	s9 =	sadd.s32 $0x62400, s0;
	s16 =	sadd.s32 $0x6C000, s0  }
0xa: {  	s19 =	sadd.s32 $0x31540, s0;
	s25 =	sshll.u32 s15, $0x6;
	_ =	strace $0x80000047  }
0xb: {  	s5 =	sshll.u32 s2, $0x4;
	s10 =	ssub.s32 $0x2, s2;
	[dreg:$0x5] =	wrdreg s16  }
0xc: {  	p1 =	seq.s32 s2, $0x1;
	s5 =	sor.u32 s15, s5;
	s12 =	sshrl.u32 s10, $0x1  }
0xd: {  	s22 =	sadd.s32 s11, s3;
	s11 =	sshrl.u32 s11, $0x3;
	s15 =	simm.s32 $0x2  }
0xe: {  	s13 =	smul.u32 $0xD000, s5;
	s10 =	ssub.s32 s10, s12;
	[dreg:$0x6] =	wrdreg s22  }
0xf: {  	s23 =	smul.u32 $0x1A00, s5;
	s16 =	sadd.s32 s16, s11;
	p0 =	sgt.u32 s5, $0x1D  }
0x10: {  	[dreg:$0x7] =	wrdreg s16;
	s16 =	smul.u32 $0x1A, s5;
	s26 =	smax.u32 s10, $0x1  }
0x11: {  	s10 =	simm.s32 $0x7000;
	s14 =	sshrl.u32 s13, $0x3;
	s17 =	sadd.s32 s6, s23  }
0x12: {  	s18 =	sadd.s32 s4, s23;
	s24 =	sor.u32 $0x100, s23;
	s13 =	sadd.s32 $0xFFE7A000, s13  }
0x13: {  	s12 =	sadd.s32 $0xFFFCF400, s23;
	[dreg:$0xf] =	wrdreg s26;
	s26 =	simm.s32 $0x2000  }
0x14: {  	s14 =	sadd.s32 s6, s14;
	s20 =	sadd.s32 s6, s24;
	s4 =	sadd.s32 s4, s24  }
0x15: {  	s13 =	sshrl.u32 s13, $0x3;
	s12 =	sand.u32 $0x1FFFFE00, s12;
	s22 =	sadd.s32 $0xFFFFFCF4, s16  }
0x16: {  	s14 =	sadd.s32 $0x30D40, s14;
	s2 =	sadd.s32 s7, s13;
	s12 =	sor.u32 $0x100, s12  }
0x17: {  	s17 =	smov.u32 @p0 s2;
	s2 =	sadd.s32 s9, s13;
	s13 =	sadd.s32 s8, s13  }
0x18: {  	s5 =	sadd.s32 s8, s12;
	[dreg:$0x8] =	wrdreg s17;
	s18 =	smov.u32 @p0 s2  }
0x19: {  	s14 =	smov.u32 @p0 s13;
	s2 =	sadd.s32 s7, s12;
	[dreg:$0x9] =	wrdreg s18  }
0x1a: {  	s13 =	sadd.s32 s24, s19;
	s24 =	simm.s32 $0x8;
	[dreg:$0xa] =	wrdreg s14  }
0x1b: {  	s20 =	smov.u32 @p0 s2;
	s2 =	sadd.s32 s9, s12;
	s13 =	smov.u32 @p0 s5  }
0x1c: {  	s5 =	simm.s32 $0x80;
	s12 =	simm.s32 $0x6;
	s14 =	simm.s32 $0x0  }
0x1d: {  	[dreg:$0xb] =	wrdreg s20;
	s4 =	smov.u32 @p0 s2;
	s2 =	simm.s32 $0x9D000  }
0x1e: {  	s18 =	simm.s32 $0x0;
	[dreg:$0xd] =	wrdreg s13;
	s2 =	simm.s32 @!p1 $0x84800  }
0x1f: {  	[dreg:$0xc] =	wrdreg s4;
	s4 =	sor.u32 $0x1C09, s25;
	s0 =	sadd.s32 s2, s0  }
0x20: {  	v1 =	vlaneseq.u32;
	s13 =	simm.s32 $0x9;
	[dreg:$0xe] =	wrdreg s4;
	s0 =	sadd.s32 s0, s11  }
0x21: {  	v0 =	vshrl.u32 v1, $0x3;
	v1 =	vand.u32 $0x7, v1;
	s11 =	simm.s32 $0x3000;
	[dreg:$0x10] =	wrdreg s0;
	s0 =	simm.s32 $0x5  }
.LBB2_1:
0x22: {  	[dreg:$0x11] =	wrdreg s14  }
0x23: {  	s2 =	rddreg [dreg:$0x6]  }
0x24: {  	s25 =	rddreg [dreg:$0x7];
	s23 =	sshrl.u32 s2, $0x3  }
0x25: {  	[dreg:$0x12] =	wrdreg s23  }
0x26: {  	[spmem:s23], [sflag:s4] =	dma.local [hbm:s25], $0x1880  }
0x27: {  	_ =	swait.ge [sflag:s13], $0x1880  }
0x28: {  	[sflag:s13] =	ssyncset.done $0x0  }
0x29: {  	[sflag:s13] =	ssyncadd.s32 $0xFFFFE780  }
0x2a: {  	[bflag:$0x0] =	sbarrier.arrive $0xFFFF  }
0x2b: {  	s2 =	simm.s32 $0x0;
	s13 =	rddreg [dreg:$0x8]  }
0x2c: {  	[tilespmem:s2], [sflag:$0x5] =	stream.linear.gather [hbm4b:s13+s2], $0x800, $0x38;
	[tilespmem:$0x1F400] =	vst v63  }
0x2d: {  	s14 =	rddreg [dreg:$0x9]  }
0x2e: {  	[tilespmem:s26], [sflag:$0x5] =	stream.linear.gather [hbm4b:s14+s2], $0x800, $0x38;
	[tilespmem:$0x1F400] =	vst v63  }
0x2f: {  	s20 =	simm.s32 $0x1000;
	s17 =	rddreg [dreg:$0xa]  }
0x30: {  	[tilespmem:s20], [sflag:$0x7] =	stream.linear.gather [hbm4b:s17+s2], $0x800, $0x38;
	[tilespmem:$0x1F400] =	vst v63  }
0x31: {  	s23 =	simm.s32 $0x800;
	s21 =	rddreg [dreg:$0xb]  }
0x32: {  	[tilespmem:s23], [sflag:$0x6] =	stream.linear.gather [hbm4b:s21+s2], $0x800, $0x38;
	[tilespmem:$0x1F400] =	vst v63  }
0x33: {  	s25 =	rddreg [dreg:$0xc]  }
0x34: {  	[tilespmem:s30], [sflag:$0x6] =	stream.linear.gather [hbm4b:s25+s2], $0x800, $0x38;
	[tilespmem:$0x1F400] =	vst v63  }
0x35: {  	s13 =	rddreg [dreg:$0xd];
	s14 =	simm.s32 $0x1800  }
0x36: {  	[tilespmem:s14], [sflag:$0x8] =	stream.linear.gather [hbm4b:s13+s2], $0x800, $0x38;
	[tilespmem:$0x1F400] =	vst v63  }
0x37: {  	_ =	swait.ge [sflag:s0], $0x800  }
0x38: {  	[sflag:s0] =	ssyncset.done $0x0  }
0x39: {  	[sflag:s0] =	ssyncadd.s32 $0xFFFFF800  }
0x3a: {  	_ =	swait.ge [sflag:s0], $0x800  }
0x3b: {  	[sflag:s0] =	ssyncset.done $0x0  }
0x3c: {  	[sflag:s0] =	ssyncadd.s32 $0xFFFFF800  }
0x3d: {  	[tilespmem:s11], [sflag:$0x1] =	stream.indirect.gather [hbm4b:s1+s5], $0x8, s2, s5, $0xb8;
	[tilespmem:$0x1F400] =	vst v63  }
0x3e: {  	s17 =	simm.s32 $0x3400  }
0x3f: {  	[tilespmem:s17], [sflag:$0x1] =	stream.indirect.gather [hbm4b:s1+s5], $0x8, s5, s5, $0xb8;
	[tilespmem:$0x1F400] =	vst v63  }
0x40: {  	s20 =	simm.s32 $0x100;
	s21 =	simm.s32 $0x3800  }
0x41: {  	[tilespmem:s21], [sflag:$0x1] =	stream.indirect.gather [hbm4b:s1+s5], $0x8, s20, s5, $0xb8;
	[tilespmem:$0x1F400] =	vst v63  }
0x42: {  	s23 =	simm.s32 $0x180;
	s25 =	simm.s32 $0x3C00  }
0x43: {  	[tilespmem:s25], [sflag:$0x1] =	stream.indirect.gather [hbm4b:s1+s5], $0x8, s23, s5, $0xb8;
	[tilespmem:$0x1F400] =	vst v63  }
0x44: {  	s14 =	simm.s32 $0x200;
	s17 =	simm.s32 $0x4000  }
0x45: {  	[tilespmem:s17], [sflag:$0x1] =	stream.indirect.gather [hbm4b:s1+s5], $0x8, s14, s5, $0xb8;
	[tilespmem:$0x1F400] =	vst v63  }
0x46: {  	s20 =	simm.s32 $0x280;
	s21 =	simm.s32 $0x4400  }
0x47: {  	[tilespmem:s21], [sflag:$0x1] =	stream.indirect.gather [hbm4b:s1+s5], $0x8, s20, s5, $0xb8;
	[tilespmem:$0x1F400] =	vst v63  }
0x48: {  	s23 =	simm.s32 $0x300;
	s25 =	simm.s32 $0x4800  }
0x49: {  	[tilespmem:s25], [sflag:$0x1] =	stream.indirect.gather [hbm4b:s1+s5], $0x8, s23, s5, $0xb8;
	[tilespmem:$0x1F400] =	vst v63  }
0x4a: {  	s14 =	simm.s32 $0x380;
	s17 =	simm.s32 $0x4C00  }
0x4b: {  	[tilespmem:s17], [sflag:$0x1] =	stream.indirect.gather [hbm4b:s1+s5], $0x8, s14, s5, $0xb8;
	[tilespmem:$0x1F400] =	vst v63  }
0x4c: {  	s20 =	simm.s32 $0x400;
	s21 =	simm.s32 $0x5000  }
0x4d: {  	[tilespmem:s21], [sflag:$0x1] =	stream.indirect.gather [hbm4b:s1+s5], $0x8, s20, s5, $0xb8;
	[tilespmem:$0x1F400] =	vst v63  }
0x4e: {  	s23 =	simm.s32 $0x480;
	s25 =	simm.s32 $0x5400  }
0x4f: {  	[tilespmem:s25], [sflag:$0x1] =	stream.indirect.gather [hbm4b:s1+s5], $0x8, s23, s5, $0xb8;
	[tilespmem:$0x1F400] =	vst v63  }
0x50: {  	s14 =	simm.s32 $0x500;
	s17 =	simm.s32 $0x5800  }
0x51: {  	[tilespmem:s17], [sflag:$0x1] =	stream.indirect.gather [hbm4b:s1+s5], $0x8, s14, s5, $0xb8;
	[tilespmem:$0x1F400] =	vst v63  }
0x52: {  	s20 =	simm.s32 $0x580;
	s21 =	simm.s32 $0x5C00  }
0x53: {  	[tilespmem:s21], [sflag:$0x1] =	stream.indirect.gather [hbm4b:s1+s5], $0x8, s20, s5, $0xb8;
	[tilespmem:$0x1F400] =	vst v63  }
0x54: {  	s23 =	simm.s32 $0x600;
	s25 =	simm.s32 $0x6000  }
0x55: {  	[tilespmem:s25], [sflag:$0x1] =	stream.indirect.gather [hbm4b:s1+s5], $0x8, s23, s5, $0xb8;
	[tilespmem:$0x1F400] =	vst v63  }
0x56: {  	s13 =	simm.s32 $0x680;
	s14 =	simm.s32 $0x6400  }
0x57: {  	[tilespmem:s14], [sflag:$0x1] =	stream.indirect.gather [hbm4b:s1+s5], $0x8, s13, s5, $0xb8;
	[tilespmem:$0x1F400] =	vst v63  }
0x58: {  	s17 =	simm.s32 $0x700;
	s20 =	simm.s32 $0x6800  }
0x59: {  	[tilespmem:s20], [sflag:$0x1] =	stream.indirect.gather [hbm4b:s1+s5], $0x8, s17, s5, $0xb8;
	[tilespmem:$0x1F400] =	vst v63  }
0x5a: {  	s21 =	simm.s32 $0x780;
	s23 =	simm.s32 $0x6C00  }
0x5b: {  	[tilespmem:s23], [sflag:$0x1] =	stream.indirect.gather [hbm4b:s1+s5], $0x8, s21, s5, $0xb8;
	[tilespmem:$0x1F400] =	vst v63  }
0x5c: {  	s25 =	rddreg [dreg:$0x5];
	s20 =	simm.s32 $0x0  }
0x5d: {  	[tilespmem:s31], [sflag:$0x4] =	stream.linear.gather [hbm4b:s25+s2], $0x4000, $0x38;
	[tilespmem:$0x1F400] =	vst v63  }
.LBB2_2:
0x5e: {  	_ =	swait.ge [sflag:s12], $0x800  }
0x5f: {  	[sflag:s12] =	ssyncset.done $0x0  }
0x60: {  	[sflag:s12] =	ssyncadd.s32 $0xFFFFF800  }
0x61: {  	_ =	swait.ge [sflag:s12], $0x800  }
0x62: {  	[sflag:s12] =	ssyncset.done $0x0  }
0x63: {  	s2 =	simm.s32 $0x800;
	[sflag:s12] =	ssyncadd.s32 $0xFFFFF800  }
0x64: {  	[tilespmem:s10], [sflag:$0x2] =	stream.indirect.gather [hbm4b:s1+s5], $0x8, s2, s5, $0xb8;
	[tilespmem:$0x1F400] =	vst v63  }
0x65: {  	s14 =	simm.s32 $0x880;
	s4 =	simm.s32 $0x7400  }
0x66: {  	[tilespmem:s4], [sflag:$0x2] =	stream.indirect.gather [hbm4b:s1+s5], $0x8, s14, s5, $0xb8;
	[tilespmem:$0x1F400] =	vst v63  }
0x67: {  	s17 =	simm.s32 $0x900;
	s21 =	simm.s32 $0x7800  }
0x68: {  	[tilespmem:s21], [sflag:$0x2] =	stream.indirect.gather [hbm4b:s1+s5], $0x8, s17, s5, $0xb8;
	[tilespmem:$0x1F400] =	vst v63  }
0x69: {  	s23 =	simm.s32 $0x980;
	s25 =	simm.s32 $0x7C00  }
0x6a: {  	[tilespmem:s25], [sflag:$0x2] =	stream.indirect.gather [hbm4b:s1+s5], $0x8, s23, s5, $0xb8;
	[tilespmem:$0x1F400] =	vst v63  }
0x6b: {  	s13 =	simm.s32 $0xA00;
	s14 =	simm.s32 $0x8000  }
0x6c: {  	[tilespmem:s14], [sflag:$0x2] =	stream.indirect.gather [hbm4b:s1+s5], $0x8, s13, s5, $0xb8;
	[tilespmem:$0x1F400] =	vst v63  }
0x6d: {  	s17 =	simm.s32 $0xA80;
	s21 =	simm.s32 $0x8400  }
0x6e: {  	[tilespmem:s21], [sflag:$0x2] =	stream.indirect.gather [hbm4b:s1+s5], $0x8, s17, s5, $0xb8;
	[tilespmem:$0x1F400] =	vst v63  }
0x6f: {  	s23 =	simm.s32 $0xB00;
	s25 =	simm.s32 $0x8800  }
0x70: {  	[tilespmem:s25], [sflag:$0x2] =	stream.indirect.gather [hbm4b:s1+s5], $0x8, s23, s5, $0xb8;
	[tilespmem:$0x1F400] =	vst v63  }
0x71: {  	s13 =	simm.s32 $0xB80;
	s14 =	simm.s32 $0x8C00  }
0x72: {  	[tilespmem:s14], [sflag:$0x2] =	stream.indirect.gather [hbm4b:s1+s5], $0x8, s13, s5, $0xb8;
	[tilespmem:$0x1F400] =	vst v63  }
0x73: {  	s17 =	simm.s32 $0xC00;
	s21 =	simm.s32 $0x9000  }
0x74: {  	[tilespmem:s21], [sflag:$0x2] =	stream.indirect.gather [hbm4b:s1+s5], $0x8, s17, s5, $0xb8;
	[tilespmem:$0x1F400] =	vst v63  }
0x75: {  	s23 =	simm.s32 $0xC80;
	s25 =	simm.s32 $0x9400  }
0x76: {  	[tilespmem:s25], [sflag:$0x2] =	stream.indirect.gather [hbm4b:s1+s5], $0x8, s23, s5, $0xb8;
	[tilespmem:$0x1F400] =	vst v63  }
0x77: {  	s13 =	simm.s32 $0xD00;
	s14 =	simm.s32 $0x9800  }
0x78: {  	[tilespmem:s14], [sflag:$0x2] =	stream.indirect.gather [hbm4b:s1+s5], $0x8, s13, s5, $0xb8;
	[tilespmem:$0x1F400] =	vst v63  }
0x79: {  	s17 =	simm.s32 $0xD80;
	s21 =	simm.s32 $0x9C00  }
0x7a: {  	[tilespmem:s21], [sflag:$0x2] =	stream.indirect.gather [hbm4b:s1+s5], $0x8, s17, s5, $0xb8;
	[tilespmem:$0x1F400] =	vst v63  }
0x7b: {  	s23 =	simm.s32 $0xE00;
	s25 =	simm.s32 $0xA000  }
0x7c: {  	[tilespmem:s25], [sflag:$0x2] =	stream.indirect.gather [hbm4b:s1+s5], $0x8, s23, s5, $0xb8;
	[tilespmem:$0x1F400] =	vst v63  }
0x7d: {  	s4 =	simm.s32 $0xE80;
	s13 =	simm.s32 $0xA400  }
0x7e: {  	[tilespmem:s13], [sflag:$0x2] =	stream.indirect.gather [hbm4b:s1+s5], $0x8, s4, s5, $0xb8;
	[tilespmem:$0x1F400] =	vst v63  }
0x7f: {  	s14 =	simm.s32 $0x0;
	s17 =	simm.s32 $0xF00;
	s13 =	simm.s32 $0xA800  }
0x80: {  	v2 =	vor.u32 s14, v0;
	[tilespmem:s13], [sflag:$0x2] =	stream.indirect.gather [hbm4b:s1+s5], $0x8, s17, s5, $0xb8;
	[tilespmem:$0x1F400] =	vst v63  }
0x81: {  	v3 =	vshll.u32 v2, $0x3;
	s21 =	simm.s32 $0xF80;
	s23 =	simm.s32 $0xAC00;
	s25 =	simm.s32 $0x1  }
0x82: {  	v3 =	vor.u32 v1, v3;
	[tilespmem:s23], [sflag:$0x2] =	stream.indirect.gather [hbm4b:s1+s5], $0x8, s21, s5, $0xb8;
	[tilespmem:$0x1F400] =	vst v63  }
0x83: {  	_ =	swait.ge [sflag:s25], $0x4000  }
0x84: {  	[sflag:s25] =	ssyncset.done $0x0  }
0x85: {  	[sflag:s25] =	ssyncadd.s32 $0xFFFFC000  }
0x86: {  	v2 =	vld.idx.msk [tilespmem:v2+s26+$0x0], $0xffff  }
0x87: {  	s4 =	simm.s32 $0x2;
	v4 =	vld.idx.msk [tilespmem:v3+s11+$0x0], $0xffff  }
0x88: {  	v5 =	vor.u32 s4, v0  }
0x89: {  	v6 =	vshll.u32 v5, $0x3  }
0x8a: {  	v6 =	vor.u32 v1, v6;
	_ =	sdelay $0x1  }
0x8b: {  	v2 =	vmul.f32 v2, v4;
	_ =	sdelay $0x1  }
0x8c: {  	[tilespmem:v3+s29+$0x0] =	vst.idx.msk $0xffff, v2  }
0x8d: {  	v2 =	vld.idx.msk [tilespmem:v6+s11+$0x0], $0xffff  }
0x8e: {  	s13 =	simm.s32 $0x4;
	v3 =	vld.idx.msk [tilespmem:v5+s26+$0x0], $0xffff  }
0x8f: {  	v4 =	vor.u32 s13, v0  }
0x90: {  	v5 =	vshll.u32 v4, $0x3  }
0x91: {  	v5 =	vor.u32 v1, v5;
	_ =	sdelay $0x1  }
0x92: {  	v2 =	vmul.f32 v3, v2;
	_ =	sdelay $0x1  }
0x93: {  	[tilespmem:v6+s29+$0x0] =	vst.idx.msk $0xffff, v2  }
0x94: {  	v2 =	vld.idx.msk [tilespmem:v5+s11+$0x0], $0xffff  }
0x95: {  	s14 =	simm.s32 $0x6;
	v3 =	vld.idx.msk [tilespmem:v4+s26+$0x0], $0xffff  }
0x96: {  	v4 =	vor.u32 s14, v0  }
0x97: {  	v6 =	vshll.u32 v4, $0x3  }
0x98: {  	v6 =	vor.u32 v1, v6;
	_ =	sdelay $0x1  }
0x99: {  	v2 =	vmul.f32 v3, v2;
	_ =	sdelay $0x1  }
0x9a: {  	[tilespmem:v5+s29+$0x0] =	vst.idx.msk $0xffff, v2  }
0x9b: {  	v2 =	vld.idx.msk [tilespmem:v6+s11+$0x0], $0xffff  }
0x9c: {  	s17 =	simm.s32 $0x8;
	v3 =	vld.idx.msk [tilespmem:v4+s26+$0x0], $0xffff  }
0x9d: {  	v4 =	vor.u32 s17, v0  }
0x9e: {  	v5 =	vshll.u32 v4, $0x3  }
0x9f: {  	v5 =	vor.u32 v1, v5;
	_ =	sdelay $0x1  }
0xa0: {  	v2 =	vmul.f32 v3, v2;
	_ =	sdelay $0x1  }
0xa1: {  	[tilespmem:v6+s29+$0x0] =	vst.idx.msk $0xffff, v2  }
0xa2: {  	v2 =	vld.idx.msk [tilespmem:v5+s11+$0x0], $0xffff  }
0xa3: {  	s21 =	simm.s32 $0xA;
	v3 =	vld.idx.msk [tilespmem:v4+s26+$0x0], $0xffff  }
0xa4: {  	v4 =	vor.u32 s21, v0  }
0xa5: {  	v6 =	vshll.u32 v4, $0x3  }
0xa6: {  	v6 =	vor.u32 v1, v6;
	_ =	sdelay $0x1  }
0xa7: {  	v2 =	vmul.f32 v3, v2;
	_ =	sdelay $0x1  }
0xa8: {  	[tilespmem:v5+s29+$0x0] =	vst.idx.msk $0xffff, v2  }
0xa9: {  	v2 =	vld.idx.msk [tilespmem:v6+s11+$0x0], $0xffff  }
0xaa: {  	s23 =	simm.s32 $0xC;
	v3 =	vld.idx.msk [tilespmem:v4+s26+$0x0], $0xffff  }
0xab: {  	v4 =	vor.u32 s23, v0  }
0xac: {  	v5 =	vshll.u32 v4, $0x3  }
0xad: {  	v5 =	vor.u32 v1, v5;
	_ =	sdelay $0x1  }
0xae: {  	v2 =	vmul.f32 v3, v2;
	_ =	sdelay $0x1  }
0xaf: {  	[tilespmem:v6+s29+$0x0] =	vst.idx.msk $0xffff, v2  }
0xb0: {  	v3 =	vld.idx.msk [tilespmem:v5+s11+$0x0], $0xffff  }
0xb1: {  	s25 =	simm.s32 $0xE;
	v4 =	vld.idx.msk [tilespmem:v4+s26+$0x0], $0xffff  }
0xb2: {  	v6 =	vor.u32 s25, v0  }
0xb3: {  	v2 =	vshll.u32 v6, $0x3  }
0xb4: {  	v2 =	vor.u32 v1, v2;
	_ =	sdelay $0x1  }
0xb5: {  	v3 =	vmul.f32 v4, v3;
	_ =	sdelay $0x1  }
0xb6: {  	[tilespmem:v5+s29+$0x0] =	vst.idx.msk $0xffff, v3  }
0xb7: {  	v3 =	vld.idx.msk [tilespmem:v2+s11+$0x0], $0xffff  }
0xb8: {  	s14 =	simm.s32 $0x1E;
	v4 =	vld.idx.msk [tilespmem:v6+s26+$0x0], $0xffff  }
.LBB2_3:
0xb9: {  	p1 =	sne.s32 s14, $0x7FE;
	s21 =	smov.u32 s14;
	s14 =	sadd.s32 $0x10, s14  }
0xba: {  	s2 =	sadd.s32 $0xFFFFFFF2, s21  }
0xbb: {  	v5 =	vor.u32 s2, v0  }
0xbc: {  	v6 =	vshll.u32 v5, $0x3  }
0xbd: {  	v6 =	vor.u32 v1, v6  }
0xbe: {  	v3 =	vmul.f32 v4, v3;
	_ =	sdelay $0x1  }
0xbf: {  	[tilespmem:v2+s29+$0x0] =	vst.idx.msk $0xffff, v3  }
0xc0: {  	v2 =	vld.idx.msk [tilespmem:v5+s26+$0x0], $0xffff  }
0xc1: {  	v3 =	vld.idx.msk [tilespmem:v6+s11+$0x0], $0xffff  }
0xc2: {  	s2 =	sadd.s32 $0xFFFFFFF4, s21  }
0xc3: {  	v4 =	vor.u32 s2, v0  }
0xc4: {  	v5 =	vshll.u32 v4, $0x3  }
0xc5: {  	v5 =	vor.u32 v1, v5;
	_ =	sdelay $0x1  }
0xc6: {  	v2 =	vmul.f32 v2, v3;
	_ =	sdelay $0x1  }
0xc7: {  	[tilespmem:v6+s29+$0x0] =	vst.idx.msk $0xffff, v2  }
0xc8: {  	v2 =	vld.idx.msk [tilespmem:v5+s11+$0x0], $0xffff  }
0xc9: {  	v3 =	vld.idx.msk [tilespmem:v4+s26+$0x0], $0xffff  }
0xca: {  	s2 =	sadd.s32 $0xFFFFFFF6, s21  }
0xcb: {  	v4 =	vor.u32 s2, v0  }
0xcc: {  	v6 =	vshll.u32 v4, $0x3  }
0xcd: {  	v6 =	vor.u32 v1, v6;
	_ =	sdelay $0x1  }
0xce: {  	v2 =	vmul.f32 v3, v2;
	_ =	sdelay $0x1  }
0xcf: {  	[tilespmem:v5+s29+$0x0] =	vst.idx.msk $0xffff, v2  }
0xd0: {  	v2 =	vld.idx.msk [tilespmem:v6+s11+$0x0], $0xffff  }
0xd1: {  	v3 =	vld.idx.msk [tilespmem:v4+s26+$0x0], $0xffff  }
0xd2: {  	s2 =	sadd.s32 $0xFFFFFFF8, s21  }
0xd3: {  	v4 =	vor.u32 s2, v0  }
0xd4: {  	v5 =	vshll.u32 v4, $0x3  }
0xd5: {  	v5 =	vor.u32 v1, v5;
	_ =	sdelay $0x1  }
0xd6: {  	v2 =	vmul.f32 v3, v2;
	_ =	sdelay $0x1  }
0xd7: {  	[tilespmem:v6+s29+$0x0] =	vst.idx.msk $0xffff, v2  }
0xd8: {  	v2 =	vld.idx.msk [tilespmem:v5+s11+$0x0], $0xffff  }
0xd9: {  	v3 =	vld.idx.msk [tilespmem:v4+s26+$0x0], $0xffff  }
0xda: {  	s2 =	sadd.s32 $0xFFFFFFFA, s21  }
0xdb: {  	v4 =	vor.u32 s2, v0  }
0xdc: {  	v6 =	vshll.u32 v4, $0x3  }
0xdd: {  	v6 =	vor.u32 v1, v6;
	_ =	sdelay $0x1  }
0xde: {  	v2 =	vmul.f32 v3, v2;
	_ =	sdelay $0x1  }
0xdf: {  	[tilespmem:v5+s29+$0x0] =	vst.idx.msk $0xffff, v2  }
0xe0: {  	v2 =	vld.idx.msk [tilespmem:v6+s11+$0x0], $0xffff  }
0xe1: {  	v3 =	vld.idx.msk [tilespmem:v4+s26+$0x0], $0xffff  }
0xe2: {  	s2 =	sadd.s32 $0xFFFFFFFC, s21  }
0xe3: {  	v4 =	vor.u32 s2, v0  }
0xe4: {  	v5 =	vshll.u32 v4, $0x3  }
0xe5: {  	v5 =	vor.u32 v1, v5;
	_ =	sdelay $0x1  }
0xe6: {  	v2 =	vmul.f32 v3, v2;
	_ =	sdelay $0x1  }
0xe7: {  	[tilespmem:v6+s29+$0x0] =	vst.idx.msk $0xffff, v2  }
0xe8: {  	v2 =	vld.idx.msk [tilespmem:v5+s11+$0x0], $0xffff  }
0xe9: {  	v3 =	vld.idx.msk [tilespmem:v4+s26+$0x0], $0xffff  }
0xea: {  	s2 =	sadd.s32 $0xFFFFFFFE, s21  }
0xeb: {  	v4 =	vor.u32 s2, v0  }
0xec: {  	v6 =	vshll.u32 v4, $0x3  }
0xed: {  	v6 =	vor.u32 v1, v6;
	_ =	sdelay $0x1  }
0xee: {  	v2 =	vmul.f32 v3, v2;
	_ =	sdelay $0x1  }
0xef: {  	[tilespmem:v5+s29+$0x0] =	vst.idx.msk $0xffff, v2  }
0xf0: {  	v3 =	vld.idx.msk [tilespmem:v6+s11+$0x0], $0xffff  }
0xf1: {  	v4 =	vld.idx.msk [tilespmem:v4+s26+$0x0], $0xffff;
	_ =	sdelay $0x1  }
0xf2: {  	v5 =	vor.u32 s21, v0  }
0xf3: {  	v2 =	vshll.u32 v5, $0x3  }
0xf4: {  	v2 =	vor.u32 v1, v2;
	_ =	sdelay $0x1  }
.Ltmp0:
0xf5: {  	v3 =	vmul.f32 v4, v3;
	(pc) =	sbr.rel @p1 .LBB2_3-.Ltmp0, $4  }
0xf6: {  	_ = 	snop  }
0xf7: {  	[tilespmem:v6+s29+$0x0] =	vst.idx.msk $0xffff, v3  }
0xf8: {  	v3 =	vld.idx.msk [tilespmem:v2+s11+$0x0], $0xffff  }
0xf9: {  	v4 =	vld.idx.msk [tilespmem:v5+s26+$0x0], $0xffff  }
0xfa: {  	_ =	sdelay $0x3  }
0xfb: {  	v3 =	vmul.f32 v4, v3;
	_ =	sdelay $0x1  }
0xfc: {  	s2 =	simm.s32 $0x4;
	[tilespmem:v2+s29+$0x0] =	vst.idx.msk $0xffff, v3  }
0xfd: {  	_ =	swait.ge [sflag:s2], $0x4000  }
0xfe: {  	[sflag:s2] =	ssyncset.done $0x0  }
0xff: {  	s21 =	simm.s32 $0x7;
	[sflag:s2] =	ssyncadd.s32 $0xFFFFC000  }
0x100: {  	_ =	swait.ge [sflag:s21], $0x800  }
0x101: {  	[sflag:s21] =	ssyncset.done $0x0  }
0x102: {  	s23 =	simm.s32 $0x1000;
	[sflag:s21] =	ssyncadd.s32 $0xFFFFF800  }
0x103: {  	[spmem:s3] =	stream.indirect.scatter.add.f32 [tilespmem:s29], [sflag:$0x3], $0x8, s23, s5, $0xb8;
	[tilespmem:$0x1F400] =	vst v63  }
0x104: {  	s25 =	simm.s32 $0x1080;
	s4 =	simm.s32 $0xB400  }
0x105: {  	[spmem:s3] =	stream.indirect.scatter.add.f32 [tilespmem:s4], [sflag:$0x3], $0x8, s25, s5, $0xb8;
	[tilespmem:$0x1F400] =	vst v63  }
0x106: {  	s13 =	simm.s32 $0x1100;
	s14 =	simm.s32 $0xB800  }
0x107: {  	[spmem:s3] =	stream.indirect.scatter.add.f32 [tilespmem:s14], [sflag:$0x3], $0x8, s13, s5, $0xb8;
	[tilespmem:$0x1F400] =	vst v63  }
0x108: {  	s17 =	simm.s32 $0x1180;
	s21 =	simm.s32 $0xBC00  }
0x109: {  	[spmem:s3] =	stream.indirect.scatter.add.f32 [tilespmem:s21], [sflag:$0x3], $0x8, s17, s5, $0xb8;
	[tilespmem:$0x1F400] =	vst v63  }
0x10a: {  	s23 =	simm.s32 $0x1200;
	s25 =	simm.s32 $0xC000  }
0x10b: {  	[spmem:s3] =	stream.indirect.scatter.add.f32 [tilespmem:s25], [sflag:$0x3], $0x8, s23, s5, $0xb8;
	[tilespmem:$0x1F400] =	vst v63  }
0x10c: {  	s13 =	simm.s32 $0x1280;
	s14 =	simm.s32 $0xC400  }
0x10d: {  	[spmem:s3] =	stream.indirect.scatter.add.f32 [tilespmem:s14], [sflag:$0x3], $0x8, s13, s5, $0xb8;
	[tilespmem:$0x1F400] =	vst v63  }
0x10e: {  	s17 =	simm.s32 $0x1300;
	s21 =	simm.s32 $0xC800  }
0x10f: {  	[spmem:s3] =	stream.indirect.scatter.add.f32 [tilespmem:s21], [sflag:$0x3], $0x8, s17, s5, $0xb8;
	[tilespmem:$0x1F400] =	vst v63  }
0x110: {  	s23 =	simm.s32 $0x1380;
	s25 =	simm.s32 $0xCC00  }
0x111: {  	[spmem:s3] =	stream.indirect.scatter.add.f32 [tilespmem:s25], [sflag:$0x3], $0x8, s23, s5, $0xb8;
	[tilespmem:$0x1F400] =	vst v63  }
0x112: {  	s13 =	simm.s32 $0x1400;
	s14 =	simm.s32 $0xD000  }
0x113: {  	[spmem:s3] =	stream.indirect.scatter.add.f32 [tilespmem:s14], [sflag:$0x3], $0x8, s13, s5, $0xb8;
	[tilespmem:$0x1F400] =	vst v63  }
0x114: {  	s17 =	simm.s32 $0x1480;
	s21 =	simm.s32 $0xD400  }
0x115: {  	[spmem:s3] =	stream.indirect.scatter.add.f32 [tilespmem:s21], [sflag:$0x3], $0x8, s17, s5, $0xb8;
	[tilespmem:$0x1F400] =	vst v63  }
0x116: {  	s23 =	simm.s32 $0x1500;
	s25 =	simm.s32 $0xD800  }
0x117: {  	[spmem:s3] =	stream.indirect.scatter.add.f32 [tilespmem:s25], [sflag:$0x3], $0x8, s23, s5, $0xb8;
	[tilespmem:$0x1F400] =	vst v63  }
0x118: {  	s13 =	simm.s32 $0x1580;
	s14 =	simm.s32 $0xDC00  }
0x119: {  	[spmem:s3] =	stream.indirect.scatter.add.f32 [tilespmem:s14], [sflag:$0x3], $0x8, s13, s5, $0xb8;
	[tilespmem:$0x1F400] =	vst v63  }
0x11a: {  	s17 =	simm.s32 $0x1600;
	s21 =	simm.s32 $0xE000  }
0x11b: {  	[spmem:s3] =	stream.indirect.scatter.add.f32 [tilespmem:s21], [sflag:$0x3], $0x8, s17, s5, $0xb8;
	[tilespmem:$0x1F400] =	vst v63  }
0x11c: {  	s23 =	simm.s32 $0x1680;
	s25 =	simm.s32 $0xE400  }
0x11d: {  	[spmem:s3] =	stream.indirect.scatter.add.f32 [tilespmem:s25], [sflag:$0x3], $0x8, s23, s5, $0xb8;
	[tilespmem:$0x1F400] =	vst v63  }
0x11e: {  	s13 =	simm.s32 $0x1700;
	s14 =	simm.s32 $0xE800  }
0x11f: {  	[spmem:s3] =	stream.indirect.scatter.add.f32 [tilespmem:s14], [sflag:$0x3], $0x8, s13, s5, $0xb8;
	[tilespmem:$0x1F400] =	vst v63  }
0x120: {  	s17 =	simm.s32 $0x1780;
	s21 =	simm.s32 $0xEC00  }
0x121: {  	[spmem:s3] =	stream.indirect.scatter.add.f32 [tilespmem:s21], [sflag:$0x3], $0x8, s17, s5, $0xb8;
	[tilespmem:$0x1F400] =	vst v63  }
0x122: {  	s21 =	sshllo.u32 s20, $0x1  }
0x123: {  	s14 =	sshll.u32 s20, $0x1;
	s2 =	sadd.s32 @p0 s22, s21  }
0x124: {  	s23 =	smin.u32 s14, $0x17;
	s25 =	sshll.u32 @p0 s2, $0x8  }
0x125: {  	s2 =	sadd.s32 $0x2, s23;
	s23 =	sand.u32 @p0 $0x1FFFFF00, s25  }
0x126: {  	s4 =	simm.s32 @p0 $0x0;
	s25 =	simm.s32 @p0 $0x1800;
	s23 =	sadd.s32 @p0 s8, s23  }
0x127: {  	[tilespmem:s25], [sflag:$0x8] =	stream.linear.gather @p0 [hbm4b:s23+s4], $0x800, $0x38;
	[tilespmem:$0x1F400] =	vst v63  }
0x128: {  	s25 =	sadd.s32 @p0 s22, s2  }
0x129: {  	s23 =	sshll.u32 @p0 s25, $0x8  }
0x12a: {  	s23 =	sand.u32 @p0 $0x1FFFFF00, s23  }
0x12b: {  	s17 =	sadd.s32 @p0 s7, s23  }
0x12c: {  	[tilespmem:s4], [sflag:$0x5] =	stream.linear.gather @p0 [hbm4b:s17+s4], $0x800, $0x38;
	[tilespmem:$0x1F400] =	vst v63  }
0x12d: {  	s4 =	sadd.s32 @!p0 s16, s21  }
0x12e: {  	s4 =	sshll.u32 @!p0 s4, $0x8  }
0x12f: {  	s17 =	simm.s32 @!p0 $0x0;
	s21 =	simm.s32 @!p0 $0x1800;
	s4 =	sadd.s32 @!p0 s4, s19  }
0x130: {  	[tilespmem:s21], [sflag:$0x8] =	stream.linear.gather @!p0 [hbm4b:s4+s17], $0x800, $0x38;
	[tilespmem:$0x1F400] =	vst v63  }
0x131: {  	s21 =	sadd.s32 @!p0 s16, s2  }
0x132: {  	s4 =	sshll.u32 @!p0 s21, $0x8  }
0x133: {  	s13 =	sadd.s32 @!p0 s6, s4  }
0x134: {  	[tilespmem:s17], [sflag:$0x5] =	stream.linear.gather @!p0 [hbm4b:s13+s17], $0x800, $0x38;
	[tilespmem:$0x1F400] =	vst v63  }
0x135: {  	s17 =	rddreg [dreg:$0x2]  }
0x136: {  	s13 =	sadd.s32 @p0 s9, s23;
	s4 =	sadd.s32 @!p0 s17, s4  }
0x137: {  	s23 =	simm.s32 $0x0;
	s4 =	smov.u32 @p0 s13  }
0x138: {  	[tilespmem:s26], [sflag:$0x5] =	stream.linear.gather [hbm4b:s4+s23], $0x800, $0x38;
	[tilespmem:$0x1F400] =	vst v63  }
0x139: {  	_ =	swait.ge [sflag:s0], $0x800  }
0x13a: {  	[sflag:s0] =	ssyncset.done $0x0  }
0x13b: {  	[sflag:s0] =	ssyncadd.s32 $0xFFFFF800  }
0x13c: {  	_ =	swait.ge [sflag:s0], $0x800  }
0x13d: {  	[sflag:s0] =	ssyncset.done $0x0  }
0x13e: {  	[sflag:s0] =	ssyncadd.s32 $0xFFFFF800  }
0x13f: {  	[tilespmem:s11], [sflag:$0x1] =	stream.indirect.gather [hbm4b:s1+s5], $0x8, s23, s5, $0xb8;
	[tilespmem:$0x1F400] =	vst v63  }
0x140: {  	s13 =	simm.s32 $0x3400  }
0x141: {  	[tilespmem:s13], [sflag:$0x1] =	stream.indirect.gather [hbm4b:s1+s5], $0x8, s5, s5, $0xb8;
	[tilespmem:$0x1F400] =	vst v63  }
0x142: {  	s17 =	simm.s32 $0x100;
	s23 =	simm.s32 $0x3800  }
0x143: {  	[tilespmem:s23], [sflag:$0x1] =	stream.indirect.gather [hbm4b:s1+s5], $0x8, s17, s5, $0xb8;
	[tilespmem:$0x1F400] =	vst v63  }
0x144: {  	s17 =	simm.s32 $0x180;
	s23 =	simm.s32 $0x3C00  }
0x145: {  	[tilespmem:s23], [sflag:$0x1] =	stream.indirect.gather [hbm4b:s1+s5], $0x8, s17, s5, $0xb8;
	[tilespmem:$0x1F400] =	vst v63  }
0x146: {  	s17 =	simm.s32 $0x200;
	s23 =	simm.s32 $0x4000  }
0x147: {  	[tilespmem:s23], [sflag:$0x1] =	stream.indirect.gather [hbm4b:s1+s5], $0x8, s17, s5, $0xb8;
	[tilespmem:$0x1F400] =	vst v63  }
0x148: {  	s17 =	simm.s32 $0x280;
	s23 =	simm.s32 $0x4400  }
0x149: {  	[tilespmem:s23], [sflag:$0x1] =	stream.indirect.gather [hbm4b:s1+s5], $0x8, s17, s5, $0xb8;
	[tilespmem:$0x1F400] =	vst v63  }
0x14a: {  	s17 =	simm.s32 $0x300;
	s23 =	simm.s32 $0x4800  }
0x14b: {  	[tilespmem:s23], [sflag:$0x1] =	stream.indirect.gather [hbm4b:s1+s5], $0x8, s17, s5, $0xb8;
	[tilespmem:$0x1F400] =	vst v63  }
0x14c: {  	s17 =	simm.s32 $0x380;
	s23 =	simm.s32 $0x4C00  }
0x14d: {  	[tilespmem:s23], [sflag:$0x1] =	stream.indirect.gather [hbm4b:s1+s5], $0x8, s17, s5, $0xb8;
	[tilespmem:$0x1F400] =	vst v63  }
0x14e: {  	s17 =	simm.s32 $0x400;
	s23 =	simm.s32 $0x5000  }
0x14f: {  	[tilespmem:s23], [sflag:$0x1] =	stream.indirect.gather [hbm4b:s1+s5], $0x8, s17, s5, $0xb8;
	[tilespmem:$0x1F400] =	vst v63  }
0x150: {  	s17 =	simm.s32 $0x480;
	s23 =	simm.s32 $0x5400  }
0x151: {  	[tilespmem:s23], [sflag:$0x1] =	stream.indirect.gather [hbm4b:s1+s5], $0x8, s17, s5, $0xb8;
	[tilespmem:$0x1F400] =	vst v63  }
0x152: {  	s17 =	simm.s32 $0x500;
	s23 =	simm.s32 $0x5800  }
0x153: {  	[tilespmem:s23], [sflag:$0x1] =	stream.indirect.gather [hbm4b:s1+s5], $0x8, s17, s5, $0xb8;
	[tilespmem:$0x1F400] =	vst v63  }
0x154: {  	s17 =	simm.s32 $0x580;
	s23 =	simm.s32 $0x5C00  }
0x155: {  	[tilespmem:s23], [sflag:$0x1] =	stream.indirect.gather [hbm4b:s1+s5], $0x8, s17, s5, $0xb8;
	[tilespmem:$0x1F400] =	vst v63  }
0x156: {  	s17 =	simm.s32 $0x600;
	s23 =	simm.s32 $0x6000  }
0x157: {  	[tilespmem:s23], [sflag:$0x1] =	stream.indirect.gather [hbm4b:s1+s5], $0x8, s17, s5, $0xb8;
	[tilespmem:$0x1F400] =	vst v63  }
0x158: {  	s17 =	simm.s32 $0x680;
	s23 =	simm.s32 $0x6400  }
0x159: {  	[tilespmem:s23], [sflag:$0x1] =	stream.indirect.gather [hbm4b:s1+s5], $0x8, s17, s5, $0xb8;
	[tilespmem:$0x1F400] =	vst v63  }
0x15a: {  	s4 =	simm.s32 $0x0;
	s17 =	simm.s32 $0x700;
	s23 =	simm.s32 $0x6800  }
0x15b: {  	v2 =	vor.u32 s4, v0;
	[tilespmem:s23], [sflag:$0x1] =	stream.indirect.gather [hbm4b:s1+s5], $0x8, s17, s5, $0xb8;
	[tilespmem:$0x1F400] =	vst v63  }
0x15c: {  	v3 =	vshll.u32 v2, $0x3;
	s13 =	simm.s32 $0x780;
	s17 =	simm.s32 $0x6C00  }
0x15d: {  	v3 =	vor.u32 v1, v3;
	[tilespmem:s17], [sflag:$0x1] =	stream.indirect.gather [hbm4b:s1+s5], $0x8, s13, s5, $0xb8;
	[tilespmem:$0x1F400] =	vst v63  }
0x15e: {  	_ =	swait.ge [sflag:s15], $0x4000  }
0x15f: {  	[sflag:s15] =	ssyncset.done $0x0  }
0x160: {  	[sflag:s15] =	ssyncadd.s32 $0xFFFFC000  }
0x161: {  	v2 =	vld.idx.msk [tilespmem:v2+s30+$0x0], $0xffff  }
0x162: {  	s23 =	simm.s32 $0x2;
	v4 =	vld.idx.msk [tilespmem:v3+s10+$0x0], $0xffff  }
0x163: {  	v5 =	vor.u32 s23, v0  }
0x164: {  	v6 =	vshll.u32 v5, $0x3  }
0x165: {  	v6 =	vor.u32 v1, v6;
	_ =	sdelay $0x1  }
0x166: {  	v2 =	vmul.f32 v2, v4;
	_ =	sdelay $0x1  }
0x167: {  	[tilespmem:v3+s31+$0x0] =	vst.idx.msk $0xffff, v2  }
0x168: {  	v2 =	vld.idx.msk [tilespmem:v6+s10+$0x0], $0xffff  }
0x169: {  	s13 =	simm.s32 $0x4;
	v3 =	vld.idx.msk [tilespmem:v5+s30+$0x0], $0xffff  }
0x16a: {  	v4 =	vor.u32 s13, v0  }
0x16b: {  	v5 =	vshll.u32 v4, $0x3  }
0x16c: {  	v5 =	vor.u32 v1, v5;
	_ =	sdelay $0x1  }
0x16d: {  	v2 =	vmul.f32 v3, v2;
	_ =	sdelay $0x1  }
0x16e: {  	[tilespmem:v6+s31+$0x0] =	vst.idx.msk $0xffff, v2  }
0x16f: {  	v2 =	vld.idx.msk [tilespmem:v5+s10+$0x0], $0xffff  }
0x170: {  	s17 =	simm.s32 $0x6;
	v3 =	vld.idx.msk [tilespmem:v4+s30+$0x0], $0xffff  }
0x171: {  	v4 =	vor.u32 s17, v0  }
0x172: {  	v6 =	vshll.u32 v4, $0x3  }
0x173: {  	v6 =	vor.u32 v1, v6;
	_ =	sdelay $0x1  }
0x174: {  	v2 =	vmul.f32 v3, v2;
	_ =	sdelay $0x1  }
0x175: {  	[tilespmem:v5+s31+$0x0] =	vst.idx.msk $0xffff, v2  }
0x176: {  	v2 =	vld.idx.msk [tilespmem:v6+s10+$0x0], $0xffff  }
0x177: {  	s23 =	simm.s32 $0x8;
	v3 =	vld.idx.msk [tilespmem:v4+s30+$0x0], $0xffff  }
0x178: {  	v4 =	vor.u32 s23, v0  }
0x179: {  	v5 =	vshll.u32 v4, $0x3  }
0x17a: {  	v5 =	vor.u32 v1, v5;
	_ =	sdelay $0x1  }
0x17b: {  	v2 =	vmul.f32 v3, v2;
	_ =	sdelay $0x1  }
0x17c: {  	[tilespmem:v6+s31+$0x0] =	vst.idx.msk $0xffff, v2  }
0x17d: {  	v2 =	vld.idx.msk [tilespmem:v5+s10+$0x0], $0xffff  }
0x17e: {  	s13 =	simm.s32 $0xA;
	v3 =	vld.idx.msk [tilespmem:v4+s30+$0x0], $0xffff  }
0x17f: {  	v4 =	vor.u32 s13, v0  }
0x180: {  	v6 =	vshll.u32 v4, $0x3  }
0x181: {  	v6 =	vor.u32 v1, v6;
	_ =	sdelay $0x1  }
0x182: {  	v2 =	vmul.f32 v3, v2;
	_ =	sdelay $0x1  }
0x183: {  	[tilespmem:v5+s31+$0x0] =	vst.idx.msk $0xffff, v2  }
0x184: {  	v2 =	vld.idx.msk [tilespmem:v6+s10+$0x0], $0xffff  }
0x185: {  	s17 =	simm.s32 $0xC;
	v3 =	vld.idx.msk [tilespmem:v4+s30+$0x0], $0xffff  }
0x186: {  	v4 =	vor.u32 s17, v0  }
0x187: {  	v5 =	vshll.u32 v4, $0x3  }
0x188: {  	v5 =	vor.u32 v1, v5;
	_ =	sdelay $0x1  }
0x189: {  	v2 =	vmul.f32 v3, v2;
	_ =	sdelay $0x1  }
0x18a: {  	[tilespmem:v6+s31+$0x0] =	vst.idx.msk $0xffff, v2  }
0x18b: {  	v3 =	vld.idx.msk [tilespmem:v5+s10+$0x0], $0xffff  }
0x18c: {  	s23 =	simm.s32 $0xE;
	v4 =	vld.idx.msk [tilespmem:v4+s30+$0x0], $0xffff  }
0x18d: {  	v6 =	vor.u32 s23, v0  }
0x18e: {  	v2 =	vshll.u32 v6, $0x3  }
0x18f: {  	v2 =	vor.u32 v1, v2;
	_ =	sdelay $0x1  }
0x190: {  	v3 =	vmul.f32 v4, v3;
	_ =	sdelay $0x1  }
0x191: {  	[tilespmem:v5+s31+$0x0] =	vst.idx.msk $0xffff, v3  }
0x192: {  	s4 =	sadd.s32 @p0 s16, s2;
	s23 =	sadd.s32 @!p0 s22, s2;
	v3 =	vld.idx.msk [tilespmem:v2+s10+$0x0], $0xffff  }
0x193: {  	s21 =	smov.u32 @p0 s4;
	s23 =	smov.u32 @p0 s25;
	s25 =	simm.s32 $0x1E;
	v4 =	vld.idx.msk [tilespmem:v6+s30+$0x0], $0xffff  }
.LBB2_5:
0x194: {  	p1 =	sne.s32 s25, $0x7FE;
	s2 =	smov.u32 s25;
	s25 =	sadd.s32 $0x10, s25  }
0x195: {  	s4 =	sadd.s32 $0xFFFFFFF2, s2  }
0x196: {  	v5 =	vor.u32 s4, v0  }
0x197: {  	v6 =	vshll.u32 v5, $0x3  }
0x198: {  	v6 =	vor.u32 v1, v6  }
0x199: {  	v3 =	vmul.f32 v4, v3;
	_ =	sdelay $0x1  }
0x19a: {  	[tilespmem:v2+s31+$0x0] =	vst.idx.msk $0xffff, v3  }
0x19b: {  	v2 =	vld.idx.msk [tilespmem:v5+s30+$0x0], $0xffff  }
0x19c: {  	v3 =	vld.idx.msk [tilespmem:v6+s10+$0x0], $0xffff  }
0x19d: {  	s4 =	sadd.s32 $0xFFFFFFF4, s2  }
0x19e: {  	v4 =	vor.u32 s4, v0  }
0x19f: {  	v5 =	vshll.u32 v4, $0x3  }
0x1a0: {  	v5 =	vor.u32 v1, v5;
	_ =	sdelay $0x1  }
0x1a1: {  	v2 =	vmul.f32 v2, v3;
	_ =	sdelay $0x1  }
0x1a2: {  	[tilespmem:v6+s31+$0x0] =	vst.idx.msk $0xffff, v2  }
0x1a3: {  	v2 =	vld.idx.msk [tilespmem:v5+s10+$0x0], $0xffff  }
0x1a4: {  	v3 =	vld.idx.msk [tilespmem:v4+s30+$0x0], $0xffff  }
0x1a5: {  	s4 =	sadd.s32 $0xFFFFFFF6, s2  }
0x1a6: {  	v4 =	vor.u32 s4, v0  }
0x1a7: {  	v6 =	vshll.u32 v4, $0x3  }
0x1a8: {  	v6 =	vor.u32 v1, v6;
	_ =	sdelay $0x1  }
0x1a9: {  	v2 =	vmul.f32 v3, v2;
	_ =	sdelay $0x1  }
0x1aa: {  	[tilespmem:v5+s31+$0x0] =	vst.idx.msk $0xffff, v2  }
0x1ab: {  	v2 =	vld.idx.msk [tilespmem:v6+s10+$0x0], $0xffff  }
0x1ac: {  	v3 =	vld.idx.msk [tilespmem:v4+s30+$0x0], $0xffff  }
0x1ad: {  	s4 =	sadd.s32 $0xFFFFFFF8, s2  }
0x1ae: {  	v4 =	vor.u32 s4, v0  }
0x1af: {  	v5 =	vshll.u32 v4, $0x3  }
0x1b0: {  	v5 =	vor.u32 v1, v5;
	_ =	sdelay $0x1  }
0x1b1: {  	v2 =	vmul.f32 v3, v2;
	_ =	sdelay $0x1  }
0x1b2: {  	[tilespmem:v6+s31+$0x0] =	vst.idx.msk $0xffff, v2  }
0x1b3: {  	v2 =	vld.idx.msk [tilespmem:v5+s10+$0x0], $0xffff  }
0x1b4: {  	v3 =	vld.idx.msk [tilespmem:v4+s30+$0x0], $0xffff  }
0x1b5: {  	s4 =	sadd.s32 $0xFFFFFFFA, s2  }
0x1b6: {  	v4 =	vor.u32 s4, v0  }
0x1b7: {  	v6 =	vshll.u32 v4, $0x3  }
0x1b8: {  	v6 =	vor.u32 v1, v6;
	_ =	sdelay $0x1  }
0x1b9: {  	v2 =	vmul.f32 v3, v2;
	_ =	sdelay $0x1  }
0x1ba: {  	[tilespmem:v5+s31+$0x0] =	vst.idx.msk $0xffff, v2  }
0x1bb: {  	v2 =	vld.idx.msk [tilespmem:v6+s10+$0x0], $0xffff  }
0x1bc: {  	v3 =	vld.idx.msk [tilespmem:v4+s30+$0x0], $0xffff  }
0x1bd: {  	s4 =	sadd.s32 $0xFFFFFFFC, s2  }
0x1be: {  	v4 =	vor.u32 s4, v0  }
0x1bf: {  	v5 =	vshll.u32 v4, $0x3  }
0x1c0: {  	v5 =	vor.u32 v1, v5;
	_ =	sdelay $0x1  }
0x1c1: {  	v2 =	vmul.f32 v3, v2;
	_ =	sdelay $0x1  }
0x1c2: {  	[tilespmem:v6+s31+$0x0] =	vst.idx.msk $0xffff, v2  }
0x1c3: {  	v2 =	vld.idx.msk [tilespmem:v5+s10+$0x0], $0xffff  }
0x1c4: {  	v3 =	vld.idx.msk [tilespmem:v4+s30+$0x0], $0xffff  }
0x1c5: {  	s4 =	sadd.s32 $0xFFFFFFFE, s2  }
0x1c6: {  	v4 =	vor.u32 s4, v0  }
0x1c7: {  	v6 =	vshll.u32 v4, $0x3  }
0x1c8: {  	v6 =	vor.u32 v1, v6;
	_ =	sdelay $0x1  }
0x1c9: {  	v2 =	vmul.f32 v3, v2;
	_ =	sdelay $0x1  }
0x1ca: {  	[tilespmem:v5+s31+$0x0] =	vst.idx.msk $0xffff, v2  }
0x1cb: {  	v3 =	vld.idx.msk [tilespmem:v6+s10+$0x0], $0xffff  }
0x1cc: {  	v4 =	vld.idx.msk [tilespmem:v4+s30+$0x0], $0xffff;
	_ =	sdelay $0x1  }
0x1cd: {  	v5 =	vor.u32 s2, v0  }
0x1ce: {  	v2 =	vshll.u32 v5, $0x3  }
0x1cf: {  	v2 =	vor.u32 v1, v2;
	_ =	sdelay $0x1  }
.Ltmp1:
0x1d0: {  	v3 =	vmul.f32 v4, v3;
	(pc) =	sbr.rel @p1 .LBB2_5-.Ltmp1, $4  }
0x1d1: {  	_ = 	snop  }
0x1d2: {  	[tilespmem:v6+s31+$0x0] =	vst.idx.msk $0xffff, v3  }
0x1d3: {  	v3 =	vld.idx.msk [tilespmem:v2+s10+$0x0], $0xffff  }
0x1d4: {  	v4 =	vld.idx.msk [tilespmem:v5+s30+$0x0], $0xffff  }
0x1d5: {  	_ =	sdelay $0x3  }
0x1d6: {  	v3 =	vmul.f32 v4, v3;
	_ =	sdelay $0x1  }
0x1d7: {  	[tilespmem:v2+s31+$0x0] =	vst.idx.msk $0xffff, v3  }
0x1d8: {  	_ =	swait.ge [sflag:s28], $0x4000  }
0x1d9: {  	[sflag:s28] =	ssyncset.done $0x0  }
0x1da: {  	[sflag:s28] =	ssyncadd.s32 $0xFFFFC000  }
0x1db: {  	_ =	swait.ge [sflag:s24], $0x800  }
0x1dc: {  	[sflag:s24] =	ssyncset.done $0x0  }
0x1dd: {  	s2 =	simm.s32 $0x1800;
	[sflag:s24] =	ssyncadd.s32 $0xFFFFF800  }
0x1de: {  	[spmem:s3] =	stream.indirect.scatter.add.f32 [tilespmem:s31], [sflag:$0x4], $0x8, s2, s5, $0xb8;
	[tilespmem:$0x1F400] =	vst v63  }
0x1df: {  	s13 =	simm.s32 $0x1880;
	s4 =	simm.s32 $0xF400  }
0x1e0: {  	[spmem:s3] =	stream.indirect.scatter.add.f32 [tilespmem:s4], [sflag:$0x4], $0x8, s13, s5, $0xb8;
	[tilespmem:$0x1F400] =	vst v63  }
0x1e1: {  	s17 =	simm.s32 $0x1900;
	s25 =	simm.s32 $0xF800  }
0x1e2: {  	[spmem:s3] =	stream.indirect.scatter.add.f32 [tilespmem:s25], [sflag:$0x4], $0x8, s17, s5, $0xb8;
	[tilespmem:$0x1F400] =	vst v63  }
0x1e3: {  	s4 =	simm.s32 $0x1980;
	s13 =	simm.s32 $0xFC00  }
0x1e4: {  	[spmem:s3] =	stream.indirect.scatter.add.f32 [tilespmem:s13], [sflag:$0x4], $0x8, s4, s5, $0xb8;
	[tilespmem:$0x1F400] =	vst v63  }
0x1e5: {  	s17 =	simm.s32 $0x1A00;
	s25 =	simm.s32 $0x10000  }
0x1e6: {  	[spmem:s3] =	stream.indirect.scatter.add.f32 [tilespmem:s25], [sflag:$0x4], $0x8, s17, s5, $0xb8;
	[tilespmem:$0x1F400] =	vst v63  }
0x1e7: {  	s4 =	simm.s32 $0x1A80;
	s13 =	simm.s32 $0x10400  }
0x1e8: {  	[spmem:s3] =	stream.indirect.scatter.add.f32 [tilespmem:s13], [sflag:$0x4], $0x8, s4, s5, $0xb8;
	[tilespmem:$0x1F400] =	vst v63  }
0x1e9: {  	s17 =	simm.s32 $0x1B00;
	s25 =	simm.s32 $0x10800  }
0x1ea: {  	[spmem:s3] =	stream.indirect.scatter.add.f32 [tilespmem:s25], [sflag:$0x4], $0x8, s17, s5, $0xb8;
	[tilespmem:$0x1F400] =	vst v63  }
0x1eb: {  	s4 =	simm.s32 $0x1B80;
	s13 =	simm.s32 $0x10C00  }
0x1ec: {  	[spmem:s3] =	stream.indirect.scatter.add.f32 [tilespmem:s13], [sflag:$0x4], $0x8, s4, s5, $0xb8;
	[tilespmem:$0x1F400] =	vst v63  }
0x1ed: {  	s17 =	simm.s32 $0x1C00;
	s25 =	simm.s32 $0x11000  }
0x1ee: {  	[spmem:s3] =	stream.indirect.scatter.add.f32 [tilespmem:s25], [sflag:$0x4], $0x8, s17, s5, $0xb8;
	[tilespmem:$0x1F400] =	vst v63  }
0x1ef: {  	s4 =	simm.s32 $0x1C80;
	s13 =	simm.s32 $0x11400  }
0x1f0: {  	[spmem:s3] =	stream.indirect.scatter.add.f32 [tilespmem:s13], [sflag:$0x4], $0x8, s4, s5, $0xb8;
	[tilespmem:$0x1F400] =	vst v63  }
0x1f1: {  	s17 =	simm.s32 $0x1D00;
	s25 =	simm.s32 $0x11800  }
0x1f2: {  	[spmem:s3] =	stream.indirect.scatter.add.f32 [tilespmem:s25], [sflag:$0x4], $0x8, s17, s5, $0xb8;
	[tilespmem:$0x1F400] =	vst v63  }
0x1f3: {  	s4 =	simm.s32 $0x1D80;
	s13 =	simm.s32 $0x11C00  }
0x1f4: {  	[spmem:s3] =	stream.indirect.scatter.add.f32 [tilespmem:s13], [sflag:$0x4], $0x8, s4, s5, $0xb8;
	[tilespmem:$0x1F400] =	vst v63  }
0x1f5: {  	s17 =	simm.s32 $0x1E00;
	s25 =	simm.s32 $0x12000  }
0x1f6: {  	[spmem:s3] =	stream.indirect.scatter.add.f32 [tilespmem:s25], [sflag:$0x4], $0x8, s17, s5, $0xb8;
	[tilespmem:$0x1F400] =	vst v63  }
0x1f7: {  	s4 =	simm.s32 $0x1E80;
	s13 =	simm.s32 $0x12400  }
0x1f8: {  	[spmem:s3] =	stream.indirect.scatter.add.f32 [tilespmem:s13], [sflag:$0x4], $0x8, s4, s5, $0xb8;
	[tilespmem:$0x1F400] =	vst v63  }
0x1f9: {  	s17 =	simm.s32 $0x1F00;
	s4 =	sshll.u32 @p0 s23, $0x8  }
0x1fa: {  	s25 =	simm.s32 $0x12800;
	s13 =	simm.s32 $0x1F80;
	s4 =	sand.u32 @p0 $0x1FFFFF00, s4  }
0x1fb: {  	[spmem:s3] =	stream.indirect.scatter.add.f32 [tilespmem:s25], [sflag:$0x4], $0x8, s17, s5, $0xb8;
	[tilespmem:$0x1F400] =	vst v63  }
0x1fc: {  	s17 =	simm.s32 $0x12C00;
	s25 =	smin.u32 s14, $0x16;
	s4 =	sadd.s32 @p0 s8, s4  }
0x1fd: {  	[spmem:s3] =	stream.indirect.scatter.add.f32 [tilespmem:s17], [sflag:$0x4], $0x8, s13, s5, $0xb8;
	[tilespmem:$0x1F400] =	vst v63  }
0x1fe: {  	s14 =	simm.s32 @p0 $0x1000;
	s2 =	sadd.s32 $0x3, s25;
	s13 =	simm.s32 @p0 $0x0  }
0x1ff: {  	[tilespmem:s14], [sflag:$0x7] =	stream.linear.gather @p0 [hbm4b:s4+s13], $0x800, $0x38;
	[tilespmem:$0x1F400] =	vst v63  }
0x200: {  	s4 =	sadd.s32 @p0 s22, s2  }
0x201: {  	s4 =	sshll.u32 @p0 s4, $0x8  }
0x202: {  	s4 =	sand.u32 @p0 $0x1FFFFF00, s4  }
0x203: {  	s17 =	simm.s32 @p0 $0x800;
	s2 =	sadd.s32 @!p0 s16, s2;
	s14 =	sadd.s32 @p0 s7, s4  }
0x204: {  	[tilespmem:s17], [sflag:$0x6] =	stream.linear.gather @p0 [hbm4b:s14+s13], $0x800, $0x38;
	[tilespmem:$0x1F400] =	vst v63  }
0x205: {  	s20 =	sadd.s32 $0x1, s20;
	s2 =	sshll.u32 @!p0 s2, $0x8;
	s13 =	sshll.u32 @!p0 s21, $0x8  }
0x206: {  	s14 =	simm.s32 @!p0 $0x0;
	s17 =	simm.s32 @!p0 $0x1000;
	s13 =	sadd.s32 @!p0 s13, s19  }
0x207: {  	[tilespmem:s17], [sflag:$0x7] =	stream.linear.gather @!p0 [hbm4b:s13+s14], $0x800, $0x38;
	[tilespmem:$0x1F400] =	vst v63  }
0x208: {  	p1 =	sne.s32 s20, $0xD;
	s13 =	sadd.s32 @!p0 s6, s2;
	s17 =	simm.s32 @!p0 $0x800  }
0x209: {  	[tilespmem:s17], [sflag:$0x6] =	stream.linear.gather @!p0 [hbm4b:s13+s14], $0x800, $0x38;
	[tilespmem:$0x1F400] =	vst v63  }
.Ltmp2:
0x20a: {  	_ = 	snop;
	(pc) =	sbr.rel @p1 .LBB2_2-.Ltmp2, $4  }
0x20b: {  	s13 =	rddreg [dreg:$0x2]  }
0x20c: {  	s4 =	sadd.s32 @p0 s9, s4;
	s2 =	sadd.s32 @!p0 s13, s2  }
0x20d: {  	s2 =	smov.u32 @p0 s4  }
0x20e: {  	[tilespmem:s30], [sflag:$0x6] =	stream.linear.gather [hbm4b:s2+s18], $0x800, $0x38;
	[tilespmem:$0x1F400] =	vst v63  }
0x20f: {  	s2 =	simm.s32 $0x1  }
0x210: {  	_ =	swait.ge [sflag:s2], $0x4000  }
0x211: {  	[sflag:s2] =	ssyncset.done $0x0  }
0x212: {  	s20 =	simm.s32 $0x4;
	[sflag:s2] =	ssyncadd.s32 $0xFFFFC000  }
0x213: {  	_ =	swait.ge [sflag:s20], $0x4000  }
0x214: {  	[sflag:s20] =	ssyncset.done $0x0  }
0x215: {  	[sflag:s20] =	ssyncadd.s32 $0xFFFFC000  }
0x216: {  	_ =	swait.ge [sflag:s12], $0x800  }
0x217: {  	[sflag:s12] =	ssyncset.done $0x0  }
0x218: {  	[sflag:s12] =	ssyncadd.s32 $0xFFFFF800  }
0x219: {  	_ =	swait.ge [sflag:s12], $0x800  }
0x21a: {  	[sflag:s12] =	ssyncset.done $0x0  }
0x21b: {  	s21 =	simm.s32 $0x7;
	[sflag:s12] =	ssyncadd.s32 $0xFFFFF800  }
0x21c: {  	_ =	swait.ge [sflag:s21], $0x800  }
0x21d: {  	[sflag:s21] =	ssyncset.done $0x0  }
0x21e: {  	[sflag:s21] =	ssyncadd.s32 $0xFFFFF800  }
0x21f: {  	_ =	swait.ge [sflag:s24], $0x800  }
0x220: {  	[sflag:s24] =	ssyncset.done $0x0  }
0x221: {  	[sflag:s24] =	ssyncadd.s32 $0xFFFFF800  }
0x222: {  	[bflag:$0x0] =	sbarrier.arrive $0xFFFF  }
0x223: {  	s4 =	rddreg [dreg:$0xe]  }
0x224: {  	s23 =	rddreg [dreg:$0x10]  }
0x225: {  	s13 =	rddreg [dreg:$0x12]  }
0x226: {  	[hbm:s23], [sflag:s4] =	dma.local [spmem:s13], $0x1880  }
0x227: {  	s13 =	simm.s32 $0x9  }
0x228: {  	_ =	swait.ge [sflag:s13], $0x1880  }
0x229: {  	s14 =	rddreg [dreg:$0x11]  }
0x22a: {  	s25 =	rddreg [dreg:$0xf];
	s14 =	sadd.s32 $0x1, s14  }
0x22b: {  	p1 =	sne.s32 s14, s25  }
.Ltmp3:
0x22c: {  	_ = 	snop;
	(pc) =	sbr.rel @p1 .LBB2_1-.Ltmp3, $3  }
0x22d: {  	_ =	sdelay $0x1  }
0x22e: {  	[sflag:s13] =	ssyncset.done $0x0  }
0x22f: {  	[sflag:s13] =	ssyncadd.s32 $0xFFFFE780  }
0x230: {  	_ =	sfence.sel $0x180000  }
0x231: {  	[bflag:$0x0] =	sbarrier.arrive $0xFFFF  }
0x232: {  	_ =	strace $0x90000047  }
0x233: {  	s0 =	stileid.u32;
	[bflag:$0x2] =	sbarrier.arrive $0xFFFF  }
0x234: {  	p0 =	sne.s32 s0, $0x0;
	s0 =	rddreg [dreg:$0x4]  }
0x235: {  	s0 =	sadd.s32 @!p0 $0x100000, s0  }
0x236: {  	[sflag:s0] =	ssyncadd.tile.s32 @!p0 $0x1;
	_ =	shalt  }
.Lfunc_end2:
_tile_overlayer_lowered:
.L_overlay_start_2:
0x237: {  	(tag) =	ssettag $0x2  }
0x238: {  	s0 =	rddreg [dreg:$0x0];
	s2 =	stileid.u32  }
0x239: {  	s1 =	rddreg [dreg:$0x1];
	p0 =	sne.s32 s2, $0x0  }
0x23a: {  	s3 =	rddreg [dreg:$0x2];
	[bflag:$0x3] =	sbarrier.arrive $0xFFFF;
	s2 =	simm.s32 @!p0 $0x1C09  }
0x23b: {  	[timem:s3], [sflag:s2] =	dma.local @!p0 [hbm:s0], s1  }
0x23c: {  	s0 =	simm.s32 @!p0 $0x9  }
0x23d: {  	_ =	swait.ge @!p0 [sflag:s0], s1  }
0x23e: {  	s1 =	ssub.s32 @!p0 $0x0, s1;
	[sflag:s0] =	ssyncset.done @!p0 $0x0  }
0x23f: {  	[sflag:s0] =	ssyncadd.s32 @!p0 s1  }
0x240: {  	[bflag:$0x3] =	sbarrier.arrive $0xFFFF  }
0x241: {  	_ =	shalt  }

</sc_bundles>
